<compile_context>
chip_gen: v7x
topology: tpu7x:2x2x1
jax: 0.10.2.dev20260603
libtpu: 0.0.44.dev20260713+nightly
codegen_flags: <defaults>
</compile_context>

<pallas_src>
import functools

import jax
import jax.numpy as jnp
from jax import lax
from jax.experimental import pallas as pl
from jax.experimental.pallas import tpu as pltpu
from jax.experimental.pallas import tpu_sc as plsc

B = 16384
F = 64
H = 32
NC = 2
NS = 16
NW = NC * NS
BPW = B // NW
CHUNK = 128
NCH = BPW // CHUNK


def _sc_gather_body(gu_t, gi_t, mu_t, mi_t, uidx, iidx,
                    gu_o, gi_o, mu_o, mi_o,
                    uv, iv, gu_v, gi_v, mu_v, mi_v, sem):
  wid = lax.axis_index("s") * NC + lax.axis_index("c")
  base = wid * BPW
  pltpu.sync_copy(uidx.at[wid], uv)
  pltpu.sync_copy(iidx.at[wid], iv)
  copies = []
  for j in range(NCH):
    sl = pl.ds(j * CHUNK, CHUNK)
    copies.append(pltpu.async_copy(gu_t.at[uv.at[j]], gu_v.at[sl], sem))
    copies.append(pltpu.async_copy(gi_t.at[iv.at[j]], gi_v.at[sl], sem))
    copies.append(pltpu.async_copy(mu_t.at[uv.at[j]], mu_v.at[sl], sem))
    copies.append(pltpu.async_copy(mi_t.at[iv.at[j]], mi_v.at[sl], sem))
  for c in copies:
    c.wait()
  pltpu.sync_copy(gu_v, gu_o.at[pl.ds(base, BPW)])
  pltpu.sync_copy(gi_v, gi_o.at[pl.ds(base, BPW)])
  pltpu.sync_copy(mu_v, mu_o.at[pl.ds(base, BPW)])
  pltpu.sync_copy(mi_v, mi_o.at[pl.ds(base, BPW)])


@functools.cache
def _sc_gather():
  return pl.kernel(
      _sc_gather_body,
      out_type=(
          jax.ShapeDtypeStruct((B, F), jnp.float32),
          jax.ShapeDtypeStruct((B, F), jnp.float32),
          jax.ShapeDtypeStruct((B, H), jnp.float32),
          jax.ShapeDtypeStruct((B, H), jnp.float32),
      ),
      mesh=plsc.VectorSubcoreMesh(core_axis_name="c", subcore_axis_name="s"),
      compiler_params=pltpu.CompilerParams(use_tc_tiling_on_sc=False),
      scratch_types=[
          pltpu.VMEM((NCH, CHUNK), jnp.int32),
          pltpu.VMEM((NCH, CHUNK), jnp.int32),
          pltpu.VMEM((BPW, F), jnp.float32),
          pltpu.VMEM((BPW, F), jnp.float32),
          pltpu.VMEM((BPW, H), jnp.float32),
          pltpu.VMEM((BPW, H), jnp.float32),
          pltpu.SemaphoreType.DMA,
      ],
  )


def _sigmoid(x):
  return 1.0 / (1.0 + jnp.exp(-x))


BLK = 2048


def _tc_dense_body(gu, gi, mu, mi, w1a, w1b, w2, w3, w4, b1, b2, b3, b4,
                   ow, ob, out):
  gmf = _sigmoid(jnp.sum(gu[...] * gi[...], axis=1, keepdims=True))
  v = jnp.maximum(
      jnp.dot(mu[...], w1a[...], preferred_element_type=jnp.float32)
      + jnp.dot(mi[...], w1b[...], preferred_element_type=jnp.float32)
      + b1[...], 0.0)
  v = jnp.maximum(
      jnp.dot(v, w2[...], preferred_element_type=jnp.float32) + b2[...], 0.0)
  v = jnp.maximum(
      jnp.dot(v, w3[...], preferred_element_type=jnp.float32) + b3[...], 0.0)
  mlp = _sigmoid(jnp.sum(v * w4[...], axis=1, keepdims=True) + b4[...])
  oww = ow[...]
  out[...] = _sigmoid(gmf * oww[0:1, 0:1] + mlp * oww[0:1, 1:2] + ob[...])


def _tc_dense(gu, gi, mu, mi, w1a, w1b, w2, w3, w4, b1, b2, b3, b4, ow, ob):
  full = lambda shape: pl.BlockSpec(shape, lambda i: (0, 0))
  return pl.pallas_call(
      _tc_dense_body,
      grid=(B // BLK,),
      in_specs=[
          pl.BlockSpec((BLK, F), lambda i: (i, 0)),
          pl.BlockSpec((BLK, F), lambda i: (i, 0)),
          pl.BlockSpec((BLK, H), lambda i: (i, 0)),
          pl.BlockSpec((BLK, H), lambda i: (i, 0)),
          full((H, F)),
          full((H, F)),
          full((F, F)),
          full((F, F)),
          full((1, F)),
          full((1, F)),
          full((1, F)),
          full((1, F)),
          full((1, 1)),
          full((1, 2)),
          full((1, 1)),
      ],
      out_specs=pl.BlockSpec((BLK, 1), lambda i: (i, 0)),
      out_shape=jax.ShapeDtypeStruct((B, 1), jnp.float32),
  )(gu, gi, mu, mi, w1a, w1b, w2, w3, w4, b1, b2, b3, b4, ow, ob)


@jax.jit
def kernel(user_ids, item_ids, gmf_user_emb, gmf_item_emb, mlp_user_emb,
           mlp_item_emb, fc_w1, fc_b1, fc_w2, fc_b2, fc_w3, fc_b3,
           mlp_out_w, mlp_out_b, out_w, out_b):
  uidx = jnp.asarray(user_ids, jnp.int32).reshape(NW, NCH, CHUNK)
  iidx = jnp.asarray(item_ids, jnp.int32).reshape(NW, NCH, CHUNK)
  gu, gi, mu, mi = _sc_gather()(gmf_user_emb, gmf_item_emb, mlp_user_emb,
                                mlp_item_emb, uidx, iidx)
  w1a = fc_w1[:, :H].T
  w1b = fc_w1[:, H:].T
  w2 = fc_w2.T
  w3 = fc_w3.T
  w4 = mlp_out_w.reshape(1, F)
  b1 = fc_b1.reshape(1, F)
  b2 = fc_b2.reshape(1, F)
  b3 = fc_b3.reshape(1, F)
  b4 = mlp_out_b.reshape(1, 1)
  ob = out_b.reshape(1, 1)
  return _tc_dense(gu, gi, mu, mi, w1a, w1b, w2, w3, w4, b1, b2, b3, b4,
                   out_w, ob)

# --- scband reference (transcript-rebuilt; emitter-appended) ---
"""Pipeline reference for scband-neu-mf-82892868813331 (READ-ONLY COPY).

The authoritative reference and input builder live on the scoring server;
editing this copy changes nothing except your own understanding.
"""

import jax, jax.numpy as jnp
import numpy as np


def setup_inputs(seed: int = 0) -> dict:
    key = jax.random.key(seed)
    ks = jax.random.split(key, 16)
    B = 16384
    U = 100000
    I = 100000
    F = 64
    H = F // 2
    d = {}
    d["user_ids"] = jax.random.randint(ks[0], (B,), 0, U)
    d["item_ids"] = jax.random.randint(ks[1], (B,), 0, I)
    d["gmf_user_emb"] = jax.random.normal(ks[2], (U, F), dtype=jnp.float32) * 0.01
    d["gmf_item_emb"] = jax.random.normal(ks[3], (I, F), dtype=jnp.float32) * 0.01
    d["mlp_user_emb"] = jax.random.normal(ks[4], (U, H), dtype=jnp.float32) * 0.01
    d["mlp_item_emb"] = jax.random.normal(ks[5], (I, H), dtype=jnp.float32) * 0.01
    d["fc_w1"] = jax.random.normal(ks[6], (F, F), dtype=jnp.float32) * 0.01
    d["fc_b1"] = jnp.zeros((F,), dtype=jnp.float32)
    d["fc_w2"] = jax.random.normal(ks[7], (F, F), dtype=jnp.float32) * 0.01
    d["fc_b2"] = jnp.zeros((F,), dtype=jnp.float32)
    d["fc_w3"] = jax.random.normal(ks[8], (F, F), dtype=jnp.float32) * 0.01
    d["fc_b3"] = jnp.zeros((F,), dtype=jnp.float32)
    d["mlp_out_w"] = jax.random.normal(ks[9], (1, F), dtype=jnp.float32) * 0.01
    d["mlp_out_b"] = jnp.zeros((1,), dtype=jnp.float32)
    d["out_w"] = jax.random.normal(ks[10], (1, 2), dtype=jnp.float32) * 0.01
    d["out_b"] = jnp.zeros((1,), dtype=jnp.float32)
    return d


def reference(user_ids, item_ids, gmf_user_emb, gmf_item_emb, mlp_user_emb, mlp_item_emb, fc_w1, fc_b1, fc_w2, fc_b2, fc_w3, fc_b3, mlp_out_w, mlp_out_b, out_w, out_b):
    # GMF tower: embedding gathers + elementwise product + sum + sigmoid
    gu = jnp.take(gmf_user_emb, user_ids, axis=0)
    gi = jnp.take(gmf_item_emb, item_ids, axis=0)
    gmf_out = jax.nn.sigmoid(jnp.sum(gu * gi, axis=1))
    # MLP tower: embedding gathers + concat + 3 hidden relu layers + output sigmoid
    mu = jnp.take(mlp_user_emb, user_ids, axis=0)
    mi = jnp.take(mlp_item_emb, item_ids, axis=0)
    v = jnp.concatenate([mu, mi], axis=-1)
    v = jax.nn.relu(v @ fc_w1.T + fc_b1)
    v = jax.nn.relu(v @ fc_w2.T + fc_b2)
    v = jax.nn.relu(v @ fc_w3.T + fc_b3)
    mlp_out = jax.nn.sigmoid(v @ mlp_out_w.T + mlp_out_b)
    # NeuMF fusion
    c = jnp.concatenate([gmf_out[:, None], mlp_out], axis=-1)
    out = jax.nn.sigmoid(c @ out_w.T + out_b)
    return out

if __name__ == "__main__":
    import jax
    _d = setup_inputs()
    print(jax.jit(kernel)(*tuple(_d.values())))

</pallas_src>

<mosaic_0001>
#map = affine_map<(d0, d1) -> (0, 0)>
#map1 = affine_map<(d0, d1) -> (0, 0, 0)>
module attributes {stable_mosaic.version = 14 : i64} {
  func.func @_sc_gather_body(%arg0: i32, %arg1: i32, %arg2: memref<100000x64xf32, #tpu.memory_space<hbm>>, %arg3: memref<100000x64xf32, #tpu.memory_space<hbm>>, %arg4: memref<100000x32xf32, #tpu.memory_space<hbm>>, %arg5: memref<100000x32xf32, #tpu.memory_space<hbm>>, %arg6: memref<32x4x128xi32, #tpu.memory_space<hbm>>, %arg7: memref<32x4x128xi32, #tpu.memory_space<hbm>>, %arg8: memref<16384x64xf32, #tpu.memory_space<hbm>>, %arg9: memref<16384x64xf32, #tpu.memory_space<hbm>>, %arg10: memref<16384x32xf32, #tpu.memory_space<hbm>>, %arg11: memref<16384x32xf32, #tpu.memory_space<hbm>>, %arg12: memref<4x128xi32, #tpu.memory_space<vmem>>, %arg13: memref<4x128xi32, #tpu.memory_space<vmem>>, %arg14: memref<512x64xf32, #tpu.memory_space<vmem>>, %arg15: memref<512x64xf32, #tpu.memory_space<vmem>>, %arg16: memref<512x32xf32, #tpu.memory_space<vmem>>, %arg17: memref<512x32xf32, #tpu.memory_space<vmem>>, %arg18: memref<!tpu.dma_semaphore, #tpu.memory_space<semaphore_mem>>) attributes {dimension_semantics = [#tpu.dimension_semantics<core_parallel>, #tpu.dimension_semantics<subcore_parallel>], iteration_bounds = array<i64: 2, 16>, scalar_prefetch = 0 : i64, scratch_operands = 7 : i64, tpu.core_type = #tpu.core_type<sc_vector_subcore>, window_params = [{transform_indices = #map}, {transform_indices = #map}, {transform_indices = #map}, {transform_indices = #map}, {transform_indices = #map1}, {transform_indices = #map1}, {transform_indices = #map}, {transform_indices = #map}, {transform_indices = #map}, {transform_indices = #map}]} {
    %mul3A = arith.constant 2 : i32
    %mul3A_0 = arith.muli %arg1, %mul3A : i32
    %add3A = arith.addi %mul3A_0, %arg0 : i32
    %mul3A_1 = arith.constant 512 : i32
    %mul3A_2 = arith.muli %add3A, %mul3A_1 : i32
    "tpu.region"() ({
      %run_scoped3A = tpu.sem_alloc : memref<!tpu.dma_semaphore, #tpu.memory_space<semaphore_mem>>
      %dma_start3A_321 = arith.constant 0 : i32
      %dma_start3A_322 = arith.constant 0 : i32
      %dma_start3A_323 = tpu.memref_slice %arg6[%add3A, %dma_start3A_321, %dma_start3A_322] : memref<32x4x128xi32, #tpu.memory_space<hbm>> -> memref<1x4x128xi32, #tpu.memory_space<hbm>>
      %dma_start3A_324 = tpu.memref_squeeze %dma_start3A_323 : memref<1x4x128xi32, #tpu.memory_space<hbm>> -> memref<4x128xi32, #tpu.memory_space<hbm>>
      %dma_start3A_325 = arith.constant 0 : i32
      %dma_start3A_326 = arith.constant 0 : i32
      %dma_start3A_327 = tpu.memref_slice %arg6[%add3A, %dma_start3A_325, %dma_start3A_326] : memref<32x4x128xi32, #tpu.memory_space<hbm>> -> memref<1x4x128xi32, #tpu.memory_space<hbm>>
      %dma_start3A_328 = tpu.memref_squeeze %dma_start3A_327 : memref<1x4x128xi32, #tpu.memory_space<hbm>> -> memref<4x128xi32, #tpu.memory_space<hbm>>
      tpu.enqueue_dma source(%dma_start3A_328 : memref<4x128xi32, #tpu.memory_space<hbm>>) target(%arg12 : memref<4x128xi32, #tpu.memory_space<vmem>>) target_semaphore(%run_scoped3A : memref<!tpu.dma_semaphore, #tpu.memory_space<semaphore_mem>>)
      %dma_wait3A_329 = arith.constant 0 : i32
      %dma_wait3A_330 = arith.constant 0 : i32
      %dma_wait3A_331 = tpu.memref_slice %arg6[%add3A, %dma_wait3A_329, %dma_wait3A_330] : memref<32x4x128xi32, #tpu.memory_space<hbm>> -> memref<1x4x128xi32, #tpu.memory_space<hbm>>
      %dma_wait3A_332 = tpu.memref_squeeze %dma_wait3A_331 : memref<1x4x128xi32, #tpu.memory_space<hbm>> -> memref<4x128xi32, #tpu.memory_space<hbm>>
      %dma_wait3A_333 = arith.constant 0 : i32
      %dma_wait3A_334 = arith.constant 0 : i32
      %dma_wait3A_335 = tpu.memref_slice %arg6[%add3A, %dma_wait3A_333, %dma_wait3A_334] : memref<32x4x128xi32, #tpu.memory_space<hbm>> -> memref<1x4x128xi32, #tpu.memory_space<hbm>>
      %dma_wait3A_336 = tpu.memref_squeeze %dma_wait3A_335 : memref<1x4x128xi32, #tpu.memory_space<hbm>> -> memref<4x128xi32, #tpu.memory_space<hbm>>
      tpu.wait_dma2 semaphore(%run_scoped3A : memref<!tpu.dma_semaphore, #tpu.memory_space<semaphore_mem>>) src(%dma_wait3A_336 : memref<4x128xi32, #tpu.memory_space<hbm>>) dst(%arg12 : memref<4x128xi32, #tpu.memory_space<vmem>>)
      tpu.yield
    }) : () -> ()
    "tpu.region"() ({
      %run_scoped3A = tpu.sem_alloc : memref<!tpu.dma_semaphore, #tpu.memory_space<semaphore_mem>>
      %dma_start3A_321 = arith.constant 0 : i32
      %dma_start3A_322 = arith.constant 0 : i32
      %dma_start3A_323 = tpu.memref_slice %arg7[%add3A, %dma_start3A_321, %dma_start3A_322] : memref<32x4x128xi32, #tpu.memory_space<hbm>> -> memref<1x4x128xi32, #tpu.memory_space<hbm>>
      %dma_start3A_324 = tpu.memref_squeeze %dma_start3A_323 : memref<1x4x128xi32, #tpu.memory_space<hbm>> -> memref<4x128xi32, #tpu.memory_space<hbm>>
      %dma_start3A_325 = arith.constant 0 : i32
      %dma_start3A_326 = arith.constant 0 : i32
      %dma_start3A_327 = tpu.memref_slice %arg7[%add3A, %dma_start3A_325, %dma_start3A_326] : memref<32x4x128xi32, #tpu.memory_space<hbm>> -> memref<1x4x128xi32, #tpu.memory_space<hbm>>
      %dma_start3A_328 = tpu.memref_squeeze %dma_start3A_327 : memref<1x4x128xi32, #tpu.memory_space<hbm>> -> memref<4x128xi32, #tpu.memory_space<hbm>>
      tpu.enqueue_dma source(%dma_start3A_328 : memref<4x128xi32, #tpu.memory_space<hbm>>) target(%arg13 : memref<4x128xi32, #tpu.memory_space<vmem>>) target_semaphore(%run_scoped3A : memref<!tpu.dma_semaphore, #tpu.memory_space<semaphore_mem>>)
      %dma_wait3A_329 = arith.constant 0 : i32
      %dma_wait3A_330 = arith.constant 0 : i32
      %dma_wait3A_331 = tpu.memref_slice %arg7[%add3A, %dma_wait3A_329, %dma_wait3A_330] : memref<32x4x128xi32, #tpu.memory_space<hbm>> -> memref<1x4x128xi32, #tpu.memory_space<hbm>>
      %dma_wait3A_332 = tpu.memref_squeeze %dma_wait3A_331 : memref<1x4x128xi32, #tpu.memory_space<hbm>> -> memref<4x128xi32, #tpu.memory_space<hbm>>
      %dma_wait3A_333 = arith.constant 0 : i32
      %dma_wait3A_334 = arith.constant 0 : i32
      %dma_wait3A_335 = tpu.memref_slice %arg7[%add3A, %dma_wait3A_333, %dma_wait3A_334] : memref<32x4x128xi32, #tpu.memory_space<hbm>> -> memref<1x4x128xi32, #tpu.memory_space<hbm>>
      %dma_wait3A_336 = tpu.memref_squeeze %dma_wait3A_335 : memref<1x4x128xi32, #tpu.memory_space<hbm>> -> memref<4x128xi32, #tpu.memory_space<hbm>>
      tpu.wait_dma2 semaphore(%run_scoped3A : memref<!tpu.dma_semaphore, #tpu.memory_space<semaphore_mem>>) src(%dma_wait3A_336 : memref<4x128xi32, #tpu.memory_space<hbm>>) dst(%arg13 : memref<4x128xi32, #tpu.memory_space<vmem>>)
      tpu.yield
    }) : () -> ()
    %dma_start3A = arith.constant 0 : i32
    %dma_start3A_3 = arith.constant 0 : i32
    %dma_start3A_4 = arith.constant 0 : i32
    %dma_start3A_5 = tpu.memref_slice %arg14[%dma_start3A_3, %dma_start3A_4] : memref<512x64xf32, #tpu.memory_space<vmem>> -> memref<128x64xf32, #tpu.memory_space<vmem>>
    %dma_start3A_6 = arith.constant 0 : i32
    %dma_start3A_7 = tpu.memref_slice %arg12[%dma_start3A, %dma_start3A_6] : memref<4x128xi32, #tpu.memory_space<vmem>> -> memref<1x128xi32, #tpu.memory_space<vmem>>
    %dma_start3A_8 = tpu.memref_squeeze %dma_start3A_7 : memref<1x128xi32, #tpu.memory_space<vmem>> -> memref<128xi32, #tpu.memory_space<vmem>>
    %dma_start3A_9 = arith.constant 0 : i32
    %dma_start3A_10 = arith.constant 0 : i32
    %dma_start3A_11 = tpu.memref_slice %arg2[%dma_start3A_9, %dma_start3A_10] : memref<100000x64xf32, #tpu.memory_space<hbm>> -> memref<100000x64xf32, #tpu.memory_space<hbm>>
    tpu.enqueue_indirect_dma source(%dma_start3A_11 : memref<100000x64xf32, #tpu.memory_space<hbm>>) target(%dma_start3A_5 : memref<128x64xf32, #tpu.memory_space<vmem>>) offsets(%dma_start3A_8 : memref<128xi32, #tpu.memory_space<vmem>>) semaphore(%arg18 : memref<!tpu.dma_semaphore, #tpu.memory_space<semaphore_mem>>)
    %dma_start3A_12 = arith.constant 0 : i32
    %dma_start3A_13 = arith.constant 0 : i32
    %dma_start3A_14 = arith.constant 0 : i32
    %dma_start3A_15 = tpu.memref_slice %arg15[%dma_start3A_13, %dma_start3A_14] : memref<512x64xf32, #tpu.memory_space<vmem>> -> memref<128x64xf32, #tpu.memory_space<vmem>>
    %dma_start3A_16 = arith.constant 0 : i32
    %dma_start3A_17 = tpu.memref_slice %arg13[%dma_start3A_12, %dma_start3A_16] : memref<4x128xi32, #tpu.memory_space<vmem>> -> memref<1x128xi32, #tpu.memory_space<vmem>>
    %dma_start3A_18 = tpu.memref_squeeze %dma_start3A_17 : memref<1x128xi32, #tpu.memory_space<vmem>> -> memref<128xi32, #tpu.memory_space<vmem>>
    %dma_start3A_19 = arith.constant 0 : i32
    %dma_start3A_20 = arith.constant 0 : i32
    %dma_start3A_21 = tpu.memref_slice %arg3[%dma_start3A_19, %dma_start3A_20] : memref<100000x64xf32, #tpu.memory_space<hbm>> -> memref<100000x64xf32, #tpu.memory_space<hbm>>
    tpu.enqueue_indirect_dma source(%dma_start3A_21 : memref<100000x64xf32, #tpu.memory_space<hbm>>) target(%dma_start3A_15 : memref<128x64xf32, #tpu.memory_space<vmem>>) offsets(%dma_start3A_18 : memref<128xi32, #tpu.memory_space<vmem>>) semaphore(%arg18 : memref<!tpu.dma_semaphore, #tpu.memory_space<semaphore_mem>>)
    %dma_start3A_22 = arith.constant 0 : i32
    %dma_start3A_23 = arith.constant 0 : i32
    %dma_start3A_24 = arith.constant 0 : i32
    %dma_start3A_25 = tpu.memref_slice %arg16[%dma_start3A_23, %dma_start3A_24] : memref<512x32xf32, #tpu.memory_space<vmem>> -> memref<128x32xf32, #tpu.memory_space<vmem>>
    %dma_start3A_26 = arith.constant 0 : i32
    %dma_start3A_27 = tpu.memref_slice %arg12[%dma_start3A_22, %dma_start3A_26] : memref<4x128xi32, #tpu.memory_space<vmem>> -> memref<1x128xi32, #tpu.memory_space<vmem>>
    %dma_start3A_28 = tpu.memref_squeeze %dma_start3A_27 : memref<1x128xi32, #tpu.memory_space<vmem>> -> memref<128xi32, #tpu.memory_space<vmem>>
    %dma_start3A_29 = arith.constant 0 : i32
    %dma_start3A_30 = arith.constant 0 : i32
    %dma_start3A_31 = tpu.memref_slice %arg4[%dma_start3A_29, %dma_start3A_30] : memref<100000x32xf32, #tpu.memory_space<hbm>> -> memref<100000x32xf32, #tpu.memory_space<hbm>>
    tpu.enqueue_indirect_dma source(%dma_start3A_31 : memref<100000x32xf32, #tpu.memory_space<hbm>>) target(%dma_start3A_25 : memref<128x32xf32, #tpu.memory_space<vmem>>) offsets(%dma_start3A_28 : memref<128xi32, #tpu.memory_space<vmem>>) semaphore(%arg18 : memref<!tpu.dma_semaphore, #tpu.memory_space<semaphore_mem>>)
    %dma_start3A_32 = arith.constant 0 : i32
    %dma_start3A_33 = arith.constant 0 : i32
    %dma_start3A_34 = arith.constant 0 : i32
    %dma_start3A_35 = tpu.memref_slice %arg17[%dma_start3A_33, %dma_start3A_34] : memref<512x32xf32, #tpu.memory_space<vmem>> -> memref<128x32xf32, #tpu.memory_space<vmem>>
    %dma_start3A_36 = arith.constant 0 : i32
    %dma_start3A_37 = tpu.memref_slice %arg13[%dma_start3A_32, %dma_start3A_36] : memref<4x128xi32, #tpu.memory_space<vmem>> -> memref<1x128xi32, #tpu.memory_space<vmem>>
    %dma_start3A_38 = tpu.memref_squeeze %dma_start3A_37 : memref<1x128xi32, #tpu.memory_space<vmem>> -> memref<128xi32, #tpu.memory_space<vmem>>
    %dma_start3A_39 = arith.constant 0 : i32
    %dma_start3A_40 = arith.constant 0 : i32
    %dma_start3A_41 = tpu.memref_slice %arg5[%dma_start3A_39, %dma_start3A_40] : memref<100000x32xf32, #tpu.memory_space<hbm>> -> memref<100000x32xf32, #tpu.memory_space<hbm>>
    tpu.enqueue_indirect_dma source(%dma_start3A_41 : memref<100000x32xf32, #tpu.memory_space<hbm>>) target(%dma_start3A_35 : memref<128x32xf32, #tpu.memory_space<vmem>>) offsets(%dma_start3A_38 : memref<128xi32, #tpu.memory_space<vmem>>) semaphore(%arg18 : memref<!tpu.dma_semaphore, #tpu.memory_space<semaphore_mem>>)
    %dma_start3A_42 = arith.constant 1 : i32
    %dma_start3A_43 = arith.constant 128 : i32
    %dma_start3A_44 = arith.constant 0 : i32
    %dma_start3A_45 = tpu.memref_slice %arg14[%dma_start3A_43, %dma_start3A_44] : memref<512x64xf32, #tpu.memory_space<vmem>> -> memref<128x64xf32, #tpu.memory_space<vmem>>
    %dma_start3A_46 = arith.constant 0 : i32
    %dma_start3A_47 = tpu.memref_slice %arg12[%dma_start3A_42, %dma_start3A_46] : memref<4x128xi32, #tpu.memory_space<vmem>> -> memref<1x128xi32, #tpu.memory_space<vmem>>
    %dma_start3A_48 = tpu.memref_squeeze %dma_start3A_47 : memref<1x128xi32, #tpu.memory_space<vmem>> -> memref<128xi32, #tpu.memory_space<vmem>>
    %dma_start3A_49 = arith.constant 0 : i32
    %dma_start3A_50 = arith.constant 0 : i32
    %dma_start3A_51 = tpu.memref_slice %arg2[%dma_start3A_49, %dma_start3A_50] : memref<100000x64xf32, #tpu.memory_space<hbm>> -> memref<100000x64xf32, #tpu.memory_space<hbm>>
    tpu.enqueue_indirect_dma source(%dma_start3A_51 : memref<100000x64xf32, #tpu.memory_space<hbm>>) target(%dma_start3A_45 : memref<128x64xf32, #tpu.memory_space<vmem>>) offsets(%dma_start3A_48 : memref<128xi32, #tpu.memory_space<vmem>>) semaphore(%arg18 : memref<!tpu.dma_semaphore, #tpu.memory_space<semaphore_mem>>)
    %dma_start3A_52 = arith.constant 1 : i32
    %dma_start3A_53 = arith.constant 128 : i32
    %dma_start3A_54 = arith.constant 0 : i32
    %dma_start3A_55 = tpu.memref_slice %arg15[%dma_start3A_53, %dma_start3A_54] : memref<512x64xf32, #tpu.memory_space<vmem>> -> memref<128x64xf32, #tpu.memory_space<vmem>>
    %dma_start3A_56 = arith.constant 0 : i32
    %dma_start3A_57 = tpu.memref_slice %arg13[%dma_start3A_52, %dma_start3A_56] : memref<4x128xi32, #tpu.memory_space<vmem>> -> memref<1x128xi32, #tpu.memory_space<vmem>>
    %dma_start3A_58 = tpu.memref_squeeze %dma_start3A_57 : memref<1x128xi32, #tpu.memory_space<vmem>> -> memref<128xi32, #tpu.memory_space<vmem>>
    %dma_start3A_59 = arith.constant 0 : i32
    %dma_start3A_60 = arith.constant 0 : i32
    %dma_start3A_61 = tpu.memref_slice %arg3[%dma_start3A_59, %dma_start3A_60] : memref<100000x64xf32, #tpu.memory_space<hbm>> -> memref<100000x64xf32, #tpu.memory_space<hbm>>
    tpu.enqueue_indirect_dma source(%dma_start3A_61 : memref<100000x64xf32, #tpu.memory_space<hbm>>) target(%dma_start3A_55 : memref<128x64xf32, #tpu.memory_space<vmem>>) offsets(%dma_start3A_58 : memref<128xi32, #tpu.memory_space<vmem>>) semaphore(%arg18 : memref<!tpu.dma_semaphore, #tpu.memory_space<semaphore_mem>>)
    %dma_start3A_62 = arith.constant 1 : i32
    %dma_start3A_63 = arith.constant 128 : i32
    %dma_start3A_64 = arith.constant 0 : i32
    %dma_start3A_65 = tpu.memref_slice %arg16[%dma_start3A_63, %dma_start3A_64] : memref<512x32xf32, #tpu.memory_space<vmem>> -> memref<128x32xf32, #tpu.memory_space<vmem>>
    %dma_start3A_66 = arith.constant 0 : i32
    %dma_start3A_67 = tpu.memref_slice %arg12[%dma_start3A_62, %dma_start3A_66] : memref<4x128xi32, #tpu.memory_space<vmem>> -> memref<1x128xi32, #tpu.memory_space<vmem>>
    %dma_start3A_68 = tpu.memref_squeeze %dma_start3A_67 : memref<1x128xi32, #tpu.memory_space<vmem>> -> memref<128xi32, #tpu.memory_space<vmem>>
    %dma_start3A_69 = arith.constant 0 : i32
    %dma_start3A_70 = arith.constant 0 : i32
    %dma_start3A_71 = tpu.memref_slice %arg4[%dma_start3A_69, %dma_start3A_70] : memref<100000x32xf32, #tpu.memory_space<hbm>> -> memref<100000x32xf32, #tpu.memory_space<hbm>>
    tpu.enqueue_indirect_dma source(%dma_start3A_71 : memref<100000x32xf32, #tpu.memory_space<hbm>>) target(%dma_start3A_65 : memref<128x32xf32, #tpu.memory_space<vmem>>) offsets(%dma_start3A_68 : memref<128xi32, #tpu.memory_space<vmem>>) semaphore(%arg18 : memref<!tpu.dma_semaphore, #tpu.memory_space<semaphore_mem>>)
    %dma_start3A_72 = arith.constant 1 : i32
    %dma_start3A_73 = arith.constant 128 : i32
    %dma_start3A_74 = arith.constant 0 : i32
    %dma_start3A_75 = tpu.memref_slice %arg17[%dma_start3A_73, %dma_start3A_74] : memref<512x32xf32, #tpu.memory_space<vmem>> -> memref<128x32xf32, #tpu.memory_space<vmem>>
    %dma_start3A_76 = arith.constant 0 : i32
    %dma_start3A_77 = tpu.memref_slice %arg13[%dma_start3A_72, %dma_start3A_76] : memref<4x128xi32, #tpu.memory_space<vmem>> -> memref<1x128xi32, #tpu.memory_space<vmem>>
    %dma_start3A_78 = tpu.memref_squeeze %dma_start3A_77 : memref<1x128xi32, #tpu.memory_space<vmem>> -> memref<128xi32, #tpu.memory_space<vmem>>
    %dma_start3A_79 = arith.constant 0 : i32
    %dma_start3A_80 = arith.constant 0 : i32
    %dma_start3A_81 = tpu.memref_slice %arg5[%dma_start3A_79, %dma_start3A_80] : memref<100000x32xf32, #tpu.memory_space<hbm>> -> memref<100000x32xf32, #tpu.memory_space<hbm>>
    tpu.enqueue_indirect_dma source(%dma_start3A_81 : memref<100000x32xf32, #tpu.memory_space<hbm>>) target(%dma_start3A_75 : memref<128x32xf32, #tpu.memory_space<vmem>>) offsets(%dma_start3A_78 : memref<128xi32, #tpu.memory_space<vmem>>) semaphore(%arg18 : memref<!tpu.dma_semaphore, #tpu.memory_space<semaphore_mem>>)
    %dma_start3A_82 = arith.constant 2 : i32
    %dma_start3A_83 = arith.constant 256 : i32
    %dma_start3A_84 = arith.constant 0 : i32
    %dma_start3A_85 = tpu.memref_slice %arg14[%dma_start3A_83, %dma_start3A_84] : memref<512x64xf32, #tpu.memory_space<vmem>> -> memref<128x64xf32, #tpu.memory_space<vmem>>
    %dma_start3A_86 = arith.constant 0 : i32
    %dma_start3A_87 = tpu.memref_slice %arg12[%dma_start3A_82, %dma_start3A_86] : memref<4x128xi32, #tpu.memory_space<vmem>> -> memref<1x128xi32, #tpu.memory_space<vmem>>
    %dma_start3A_88 = tpu.memref_squeeze %dma_start3A_87 : memref<1x128xi32, #tpu.memory_space<vmem>> -> memref<128xi32, #tpu.memory_space<vmem>>
    %dma_start3A_89 = arith.constant 0 : i32
    %dma_start3A_90 = arith.constant 0 : i32
    %dma_start3A_91 = tpu.memref_slice %arg2[%dma_start3A_89, %dma_start3A_90] : memref<100000x64xf32, #tpu.memory_space<hbm>> -> memref<100000x64xf32, #tpu.memory_space<hbm>>
    tpu.enqueue_indirect_dma source(%dma_start3A_91 : memref<100000x64xf32, #tpu.memory_space<hbm>>) target(%dma_start3A_85 : memref<128x64xf32, #tpu.memory_space<vmem>>) offsets(%dma_start3A_88 : memref<128xi32, #tpu.memory_space<vmem>>) semaphore(%arg18 : memref<!tpu.dma_semaphore, #tpu.memory_space<semaphore_mem>>)
    %dma_start3A_92 = arith.constant 2 : i32
    %dma_start3A_93 = arith.constant 256 : i32
    %dma_start3A_94 = arith.constant 0 : i32
    %dma_start3A_95 = tpu.memref_slice %arg15[%dma_start3A_93, %dma_start3A_94] : memref<512x64xf32, #tpu.memory_space<vmem>> -> memref<128x64xf32, #tpu.memory_space<vmem>>
    %dma_start3A_96 = arith.constant 0 : i32
    %dma_start3A_97 = tpu.memref_slice %arg13[%dma_start3A_92, %dma_start3A_96] : memref<4x128xi32, #tpu.memory_space<vmem>> -> memref<1x128xi32, #tpu.memory_space<vmem>>
    %dma_start3A_98 = tpu.memref_squeeze %dma_start3A_97 : memref<1x128xi32, #tpu.memory_space<vmem>> -> memref<128xi32, #tpu.memory_space<vmem>>
    %dma_start3A_99 = arith.constant 0 : i32
    %dma_start3A_100 = arith.constant 0 : i32
    %dma_start3A_101 = tpu.memref_slice %arg3[%dma_start3A_99, %dma_start3A_100] : memref<100000x64xf32, #tpu.memory_space<hbm>> -> memref<100000x64xf32, #tpu.memory_space<hbm>>
    tpu.enqueue_indirect_dma source(%dma_start3A_101 : memref<100000x64xf32, #tpu.memory_space<hbm>>) target(%dma_start3A_95 : memref<128x64xf32, #tpu.memory_space<vmem>>) offsets(%dma_start3A_98 : memref<128xi32, #tpu.memory_space<vmem>>) semaphore(%arg18 : memref<!tpu.dma_semaphore, #tpu.memory_space<semaphore_mem>>)
    %dma_start3A_102 = arith.constant 2 : i32
    %dma_start3A_103 = arith.constant 256 : i32
    %dma_start3A_104 = arith.constant 0 : i32
    %dma_start3A_105 = tpu.memref_slice %arg16[%dma_start3A_103, %dma_start3A_104] : memref<512x32xf32, #tpu.memory_space<vmem>> -> memref<128x32xf32, #tpu.memory_space<vmem>>
    %dma_start3A_106 = arith.constant 0 : i32
    %dma_start3A_107 = tpu.memref_slice %arg12[%dma_start3A_102, %dma_start3A_106] : memref<4x128xi32, #tpu.memory_space<vmem>> -> memref<1x128xi32, #tpu.memory_space<vmem>>
    %dma_start3A_108 = tpu.memref_squeeze %dma_start3A_107 : memref<1x128xi32, #tpu.memory_space<vmem>> -> memref<128xi32, #tpu.memory_space<vmem>>
    %dma_start3A_109 = arith.constant 0 : i32
    %dma_start3A_110 = arith.constant 0 : i32
    %dma_start3A_111 = tpu.memref_slice %arg4[%dma_start3A_109, %dma_start3A_110] : memref<100000x32xf32, #tpu.memory_space<hbm>> -> memref<100000x32xf32, #tpu.memory_space<hbm>>
    tpu.enqueue_indirect_dma source(%dma_start3A_111 : memref<100000x32xf32, #tpu.memory_space<hbm>>) target(%dma_start3A_105 : memref<128x32xf32, #tpu.memory_space<vmem>>) offsets(%dma_start3A_108 : memref<128xi32, #tpu.memory_space<vmem>>) semaphore(%arg18 : memref<!tpu.dma_semaphore, #tpu.memory_space<semaphore_mem>>)
    %dma_start3A_112 = arith.constant 2 : i32
    %dma_start3A_113 = arith.constant 256 : i32
    %dma_start3A_114 = arith.constant 0 : i32
    %dma_start3A_115 = tpu.memref_slice %arg17[%dma_start3A_113, %dma_start3A_114] : memref<512x32xf32, #tpu.memory_space<vmem>> -> memref<128x32xf32, #tpu.memory_space<vmem>>
    %dma_start3A_116 = arith.constant 0 : i32
    %dma_start3A_117 = tpu.memref_slice %arg13[%dma_start3A_112, %dma_start3A_116] : memref<4x128xi32, #tpu.memory_space<vmem>> -> memref<1x128xi32, #tpu.memory_space<vmem>>
    %dma_start3A_118 = tpu.memref_squeeze %dma_start3A_117 : memref<1x128xi32, #tpu.memory_space<vmem>> -> memref<128xi32, #tpu.memory_space<vmem>>
    %dma_start3A_119 = arith.constant 0 : i32
    %dma_start3A_120 = arith.constant 0 : i32
    %dma_start3A_121 = tpu.memref_slice %arg5[%dma_start3A_119, %dma_start3A_120] : memref<100000x32xf32, #tpu.memory_space<hbm>> -> memref<100000x32xf32, #tpu.memory_space<hbm>>
    tpu.enqueue_indirect_dma source(%dma_start3A_121 : memref<100000x32xf32, #tpu.memory_space<hbm>>) target(%dma_start3A_115 : memref<128x32xf32, #tpu.memory_space<vmem>>) offsets(%dma_start3A_118 : memref<128xi32, #tpu.memory_space<vmem>>) semaphore(%arg18 : memref<!tpu.dma_semaphore, #tpu.memory_space<semaphore_mem>>)
    %dma_start3A_122 = arith.constant 3 : i32
    %dma_start3A_123 = arith.constant 384 : i32
    %dma_start3A_124 = arith.constant 0 : i32
    %dma_start3A_125 = tpu.memref_slice %arg14[%dma_start3A_123, %dma_start3A_124] : memref<512x64xf32, #tpu.memory_space<vmem>> -> memref<128x64xf32, #tpu.memory_space<vmem>>
    %dma_start3A_126 = arith.constant 0 : i32
    %dma_start3A_127 = tpu.memref_slice %arg12[%dma_start3A_122, %dma_start3A_126] : memref<4x128xi32, #tpu.memory_space<vmem>> -> memref<1x128xi32, #tpu.memory_space<vmem>>
    %dma_start3A_128 = tpu.memref_squeeze %dma_start3A_127 : memref<1x128xi32, #tpu.memory_space<vmem>> -> memref<128xi32, #tpu.memory_space<vmem>>
    %dma_start3A_129 = arith.constant 0 : i32
    %dma_start3A_130 = arith.constant 0 : i32
    %dma_start3A_131 = tpu.memref_slice %arg2[%dma_start3A_129, %dma_start3A_130] : memref<100000x64xf32, #tpu.memory_space<hbm>> -> memref<100000x64xf32, #tpu.memory_space<hbm>>
    tpu.enqueue_indirect_dma source(%dma_start3A_131 : memref<100000x64xf32, #tpu.memory_space<hbm>>) target(%dma_start3A_125 : memref<128x64xf32, #tpu.memory_space<vmem>>) offsets(%dma_start3A_128 : memref<128xi32, #tpu.memory_space<vmem>>) semaphore(%arg18 : memref<!tpu.dma_semaphore, #tpu.memory_space<semaphore_mem>>)
    %dma_start3A_132 = arith.constant 3 : i32
    %dma_start3A_133 = arith.constant 384 : i32
    %dma_start3A_134 = arith.constant 0 : i32
    %dma_start3A_135 = tpu.memref_slice %arg15[%dma_start3A_133, %dma_start3A_134] : memref<512x64xf32, #tpu.memory_space<vmem>> -> memref<128x64xf32, #tpu.memory_space<vmem>>
    %dma_start3A_136 = arith.constant 0 : i32
    %dma_start3A_137 = tpu.memref_slice %arg13[%dma_start3A_132, %dma_start3A_136] : memref<4x128xi32, #tpu.memory_space<vmem>> -> memref<1x128xi32, #tpu.memory_space<vmem>>
    %dma_start3A_138 = tpu.memref_squeeze %dma_start3A_137 : memref<1x128xi32, #tpu.memory_space<vmem>> -> memref<128xi32, #tpu.memory_space<vmem>>
    %dma_start3A_139 = arith.constant 0 : i32
    %dma_start3A_140 = arith.constant 0 : i32
    %dma_start3A_141 = tpu.memref_slice %arg3[%dma_start3A_139, %dma_start3A_140] : memref<100000x64xf32, #tpu.memory_space<hbm>> -> memref<100000x64xf32, #tpu.memory_space<hbm>>
    tpu.enqueue_indirect_dma source(%dma_start3A_141 : memref<100000x64xf32, #tpu.memory_space<hbm>>) target(%dma_start3A_135 : memref<128x64xf32, #tpu.memory_space<vmem>>) offsets(%dma_start3A_138 : memref<128xi32, #tpu.memory_space<vmem>>) semaphore(%arg18 : memref<!tpu.dma_semaphore, #tpu.memory_space<semaphore_mem>>)
    %dma_start3A_142 = arith.constant 3 : i32
    %dma_start3A_143 = arith.constant 384 : i32
    %dma_start3A_144 = arith.constant 0 : i32
    %dma_start3A_145 = tpu.memref_slice %arg16[%dma_start3A_143, %dma_start3A_144] : memref<512x32xf32, #tpu.memory_space<vmem>> -> memref<128x32xf32, #tpu.memory_space<vmem>>
    %dma_start3A_146 = arith.constant 0 : i32
    %dma_start3A_147 = tpu.memref_slice %arg12[%dma_start3A_142, %dma_start3A_146] : memref<4x128xi32, #tpu.memory_space<vmem>> -> memref<1x128xi32, #tpu.memory_space<vmem>>
    %dma_start3A_148 = tpu.memref_squeeze %dma_start3A_147 : memref<1x128xi32, #tpu.memory_space<vmem>> -> memref<128xi32, #tpu.memory_space<vmem>>
    %dma_start3A_149 = arith.constant 0 : i32
    %dma_start3A_150 = arith.constant 0 : i32
    %dma_start3A_151 = tpu.memref_slice %arg4[%dma_start3A_149, %dma_start3A_150] : memref<100000x32xf32, #tpu.memory_space<hbm>> -> memref<100000x32xf32, #tpu.memory_space<hbm>>
    tpu.enqueue_indirect_dma source(%dma_start3A_151 : memref<100000x32xf32, #tpu.memory_space<hbm>>) target(%dma_start3A_145 : memref<128x32xf32, #tpu.memory_space<vmem>>) offsets(%dma_start3A_148 : memref<128xi32, #tpu.memory_space<vmem>>) semaphore(%arg18 : memref<!tpu.dma_semaphore, #tpu.memory_space<semaphore_mem>>)
    %dma_start3A_152 = arith.constant 3 : i32
    %dma_start3A_153 = arith.constant 384 : i32
    %dma_start3A_154 = arith.constant 0 : i32
    %dma_start3A_155 = tpu.memref_slice %arg17[%dma_start3A_153, %dma_start3A_154] : memref<512x32xf32, #tpu.memory_space<vmem>> -> memref<128x32xf32, #tpu.memory_space<vmem>>
    %dma_start3A_156 = arith.constant 0 : i32
    %dma_start3A_157 = tpu.memref_slice %arg13[%dma_start3A_152, %dma_start3A_156] : memref<4x128xi32, #tpu.memory_space<vmem>> -> memref<1x128xi32, #tpu.memory_space<vmem>>
    %dma_start3A_158 = tpu.memref_squeeze %dma_start3A_157 : memref<1x128xi32, #tpu.memory_space<vmem>> -> memref<128xi32, #tpu.memory_space<vmem>>
    %dma_start3A_159 = arith.constant 0 : i32
    %dma_start3A_160 = arith.constant 0 : i32
    %dma_start3A_161 = tpu.memref_slice %arg5[%dma_start3A_159, %dma_start3A_160] : memref<100000x32xf32, #tpu.memory_space<hbm>> -> memref<100000x32xf32, #tpu.memory_space<hbm>>
    tpu.enqueue_indirect_dma source(%dma_start3A_161 : memref<100000x32xf32, #tpu.memory_space<hbm>>) target(%dma_start3A_155 : memref<128x32xf32, #tpu.memory_space<vmem>>) offsets(%dma_start3A_158 : memref<128xi32, #tpu.memory_space<vmem>>) semaphore(%arg18 : memref<!tpu.dma_semaphore, #tpu.memory_space<semaphore_mem>>)
    %dma_wait3A = arith.constant 0 : i32
    %dma_wait3A_162 = arith.constant 0 : i32
    %dma_wait3A_163 = arith.constant 0 : i32
    %dma_wait3A_164 = tpu.memref_slice %arg14[%dma_wait3A_162, %dma_wait3A_163] : memref<512x64xf32, #tpu.memory_space<vmem>> -> memref<128x64xf32, #tpu.memory_space<vmem>>
    %dma_wait3A_165 = arith.constant 0 : i32
    %dma_wait3A_166 = tpu.memref_slice %arg12[%dma_wait3A, %dma_wait3A_165] : memref<4x128xi32, #tpu.memory_space<vmem>> -> memref<1x128xi32, #tpu.memory_space<vmem>>
    %dma_wait3A_167 = tpu.memref_squeeze %dma_wait3A_166 : memref<1x128xi32, #tpu.memory_space<vmem>> -> memref<128xi32, #tpu.memory_space<vmem>>
    %dma_wait3A_168 = arith.constant 0 : i32
    %dma_wait3A_169 = arith.constant 0 : i32
    %dma_wait3A_170 = tpu.memref_slice %arg2[%dma_wait3A_168, %dma_wait3A_169] : memref<100000x64xf32, #tpu.memory_space<hbm>> -> memref<100000x64xf32, #tpu.memory_space<hbm>>
    tpu.wait_indirect_dma semaphore(%arg18 : memref<!tpu.dma_semaphore, #tpu.memory_space<semaphore_mem>>) src(%dma_wait3A_170 : memref<100000x64xf32, #tpu.memory_space<hbm>>) dst(%dma_wait3A_164 : memref<128x64xf32, #tpu.memory_space<vmem>>)
    %dma_wait3A_171 = arith.constant 0 : i32
    %dma_wait3A_172 = arith.constant 0 : i32
    %dma_wait3A_173 = arith.constant 0 : i32
    %dma_wait3A_174 = tpu.memref_slice %arg15[%dma_wait3A_172, %dma_wait3A_173] : memref<512x64xf32, #tpu.memory_space<vmem>> -> memref<128x64xf32, #tpu.memory_space<vmem>>
    %dma_wait3A_175 = arith.constant 0 : i32
    %dma_wait3A_176 = tpu.memref_slice %arg13[%dma_wait3A_171, %dma_wait3A_175] : memref<4x128xi32, #tpu.memory_space<vmem>> -> memref<1x128xi32, #tpu.memory_space<vmem>>
    %dma_wait3A_177 = tpu.memref_squeeze %dma_wait3A_176 : memref<1x128xi32, #tpu.memory_space<vmem>> -> memref<128xi32, #tpu.memory_space<vmem>>
    %dma_wait3A_178 = arith.constant 0 : i32
    %dma_wait3A_179 = arith.constant 0 : i32
    %dma_wait3A_180 = tpu.memref_slice %arg3[%dma_wait3A_178, %dma_wait3A_179] : memref<100000x64xf32, #tpu.memory_space<hbm>> -> memref<100000x64xf32, #tpu.memory_space<hbm>>
    tpu.wait_indirect_dma semaphore(%arg18 : memref<!tpu.dma_semaphore, #tpu.memory_space<semaphore_mem>>) src(%dma_wait3A_180 : memref<100000x64xf32, #tpu.memory_space<hbm>>) dst(%dma_wait3A_174 : memref<128x64xf32, #tpu.memory_space<vmem>>)
    %dma_wait3A_181 = arith.constant 0 : i32
    %dma_wait3A_182 = arith.constant 0 : i32
    %dma_wait3A_183 = arith.constant 0 : i32
    %dma_wait3A_184 = tpu.memref_slice %arg16[%dma_wait3A_182, %dma_wait3A_183] : memref<512x32xf32, #tpu.memory_space<vmem>> -> memref<128x32xf32, #tpu.memory_space<vmem>>
    %dma_wait3A_185 = arith.constant 0 : i32
    %dma_wait3A_186 = tpu.memref_slice %arg12[%dma_wait3A_181, %dma_wait3A_185] : memref<4x128xi32, #tpu.memory_space<vmem>> -> memref<1x128xi32, #tpu.memory_space<vmem>>
    %dma_wait3A_187 = tpu.memref_squeeze %dma_wait3A_186 : memref<1x128xi32, #tpu.memory_space<vmem>> -> memref<128xi32, #tpu.memory_space<vmem>>
    %dma_wait3A_188 = arith.constant 0 : i32
    %dma_wait3A_189 = arith.constant 0 : i32
    %dma_wait3A_190 = tpu.memref_slice %arg4[%dma_wait3A_188, %dma_wait3A_189] : memref<100000x32xf32, #tpu.memory_space<hbm>> -> memref<100000x32xf32, #tpu.memory_space<hbm>>
    tpu.wait_indirect_dma semaphore(%arg18 : memref<!tpu.dma_semaphore, #tpu.memory_space<semaphore_mem>>) src(%dma_wait3A_190 : memref<100000x32xf32, #tpu.memory_space<hbm>>) dst(%dma_wait3A_184 : memref<128x32xf32, #tpu.memory_space<vmem>>)
    %dma_wait3A_191 = arith.constant 0 : i32
    %dma_wait3A_192 = arith.constant 0 : i32
    %dma_wait3A_193 = arith.constant 0 : i32
    %dma_wait3A_194 = tpu.memref_slice %arg17[%dma_wait3A_192, %dma_wait3A_193] : memref<512x32xf32, #tpu.memory_space<vmem>> -> memref<128x32xf32, #tpu.memory_space<vmem>>
    %dma_wait3A_195 = arith.constant 0 : i32
    %dma_wait3A_196 = tpu.memref_slice %arg13[%dma_wait3A_191, %dma_wait3A_195] : memref<4x128xi32, #tpu.memory_space<vmem>> -> memref<1x128xi32, #tpu.memory_space<vmem>>
    %dma_wait3A_197 = tpu.memref_squeeze %dma_wait3A_196 : memref<1x128xi32, #tpu.memory_space<vmem>> -> memref<128xi32, #tpu.memory_space<vmem>>
    %dma_wait3A_198 = arith.constant 0 : i32
    %dma_wait3A_199 = arith.constant 0 : i32
    %dma_wait3A_200 = tpu.memref_slice %arg5[%dma_wait3A_198, %dma_wait3A_199] : memref<100000x32xf32, #tpu.memory_space<hbm>> -> memref<100000x32xf32, #tpu.memory_space<hbm>>
    tpu.wait_indirect_dma semaphore(%arg18 : memref<!tpu.dma_semaphore, #tpu.memory_space<semaphore_mem>>) src(%dma_wait3A_200 : memref<100000x32xf32, #tpu.memory_space<hbm>>) dst(%dma_wait3A_194 : memref<128x32xf32, #tpu.memory_space<vmem>>)
    %dma_wait3A_201 = arith.constant 1 : i32
    %dma_wait3A_202 = arith.constant 128 : i32
    %dma_wait3A_203 = arith.constant 0 : i32
    %dma_wait3A_204 = tpu.memref_slice %arg14[%dma_wait3A_202, %dma_wait3A_203] : memref<512x64xf32, #tpu.memory_space<vmem>> -> memref<128x64xf32, #tpu.memory_space<vmem>>
    %dma_wait3A_205 = arith.constant 0 : i32
    %dma_wait3A_206 = tpu.memref_slice %arg12[%dma_wait3A_201, %dma_wait3A_205] : memref<4x128xi32, #tpu.memory_space<vmem>> -> memref<1x128xi32, #tpu.memory_space<vmem>>
    %dma_wait3A_207 = tpu.memref_squeeze %dma_wait3A_206 : memref<1x128xi32, #tpu.memory_space<vmem>> -> memref<128xi32, #tpu.memory_space<vmem>>
    %dma_wait3A_208 = arith.constant 0 : i32
    %dma_wait3A_209 = arith.constant 0 : i32
    %dma_wait3A_210 = tpu.memref_slice %arg2[%dma_wait3A_208, %dma_wait3A_209] : memref<100000x64xf32, #tpu.memory_space<hbm>> -> memref<100000x64xf32, #tpu.memory_space<hbm>>
    tpu.wait_indirect_dma semaphore(%arg18 : memref<!tpu.dma_semaphore, #tpu.memory_space<semaphore_mem>>) src(%dma_wait3A_210 : memref<100000x64xf32, #tpu.memory_space<hbm>>) dst(%dma_wait3A_204 : memref<128x64xf32, #tpu.memory_space<vmem>>)
    %dma_wait3A_211 = arith.constant 1 : i32
    %dma_wait3A_212 = arith.constant 128 : i32
    %dma_wait3A_213 = arith.constant 0 : i32
    %dma_wait3A_214 = tpu.memref_slice %arg15[%dma_wait3A_212, %dma_wait3A_213] : memref<512x64xf32, #tpu.memory_space<vmem>> -> memref<128x64xf32, #tpu.memory_space<vmem>>
    %dma_wait3A_215 = arith.constant 0 : i32
    %dma_wait3A_216 = tpu.memref_slice %arg13[%dma_wait3A_211, %dma_wait3A_215] : memref<4x128xi32, #tpu.memory_space<vmem>> -> memref<1x128xi32, #tpu.memory_space<vmem>>
    %dma_wait3A_217 = tpu.memref_squeeze %dma_wait3A_216 : memref<1x128xi32, #tpu.memory_space<vmem>> -> memref<128xi32, #tpu.memory_space<vmem>>
    %dma_wait3A_218 = arith.constant 0 : i32
    %dma_wait3A_219 = arith.constant 0 : i32
    %dma_wait3A_220 = tpu.memref_slice %arg3[%dma_wait3A_218, %dma_wait3A_219] : memref<100000x64xf32, #tpu.memory_space<hbm>> -> memref<100000x64xf32, #tpu.memory_space<hbm>>
    tpu.wait_indirect_dma semaphore(%arg18 : memref<!tpu.dma_semaphore, #tpu.memory_space<semaphore_mem>>) src(%dma_wait3A_220 : memref<100000x64xf32, #tpu.memory_space<hbm>>) dst(%dma_wait3A_214 : memref<128x64xf32, #tpu.memory_space<vmem>>)
    %dma_wait3A_221 = arith.constant 1 : i32
    %dma_wait3A_222 = arith.constant 128 : i32
    %dma_wait3A_223 = arith.constant 0 : i32
    %dma_wait3A_224 = tpu.memref_slice %arg16[%dma_wait3A_222, %dma_wait3A_223] : memref<512x32xf32, #tpu.memory_space<vmem>> -> memref<128x32xf32, #tpu.memory_space<vmem>>
    %dma_wait3A_225 = arith.constant 0 : i32
    %dma_wait3A_226 = tpu.memref_slice %arg12[%dma_wait3A_221, %dma_wait3A_225] : memref<4x128xi32, #tpu.memory_space<vmem>> -> memref<1x128xi32, #tpu.memory_space<vmem>>
    %dma_wait3A_227 = tpu.memref_squeeze %dma_wait3A_226 : memref<1x128xi32, #tpu.memory_space<vmem>> -> memref<128xi32, #tpu.memory_space<vmem>>
    %dma_wait3A_228 = arith.constant 0 : i32
    %dma_wait3A_229 = arith.constant 0 : i32
    %dma_wait3A_230 = tpu.memref_slice %arg4[%dma_wait3A_228, %dma_wait3A_229] : memref<100000x32xf32, #tpu.memory_space<hbm>> -> memref<100000x32xf32, #tpu.memory_space<hbm>>
    tpu.wait_indirect_dma semaphore(%arg18 : memref<!tpu.dma_semaphore, #tpu.memory_space<semaphore_mem>>) src(%dma_wait3A_230 : memref<100000x32xf32, #tpu.memory_space<hbm>>) dst(%dma_wait3A_224 : memref<128x32xf32, #tpu.memory_space<vmem>>)
    %dma_wait3A_231 = arith.constant 1 : i32
    %dma_wait3A_232 = arith.constant 128 : i32
    %dma_wait3A_233 = arith.constant 0 : i32
    %dma_wait3A_234 = tpu.memref_slice %arg17[%dma_wait3A_232, %dma_wait3A_233] : memref<512x32xf32, #tpu.memory_space<vmem>> -> memref<128x32xf32, #tpu.memory_space<vmem>>
    %dma_wait3A_235 = arith.constant 0 : i32
    %dma_wait3A_236 = tpu.memref_slice %arg13[%dma_wait3A_231, %dma_wait3A_235] : memref<4x128xi32, #tpu.memory_space<vmem>> -> memref<1x128xi32, #tpu.memory_space<vmem>>
    %dma_wait3A_237 = tpu.memref_squeeze %dma_wait3A_236 : memref<1x128xi32, #tpu.memory_space<vmem>> -> memref<128xi32, #tpu.memory_space<vmem>>
    %dma_wait3A_238 = arith.constant 0 : i32
    %dma_wait3A_239 = arith.constant 0 : i32
    %dma_wait3A_240 = tpu.memref_slice %arg5[%dma_wait3A_238, %dma_wait3A_239] : memref<100000x32xf32, #tpu.memory_space<hbm>> -> memref<100000x32xf32, #tpu.memory_space<hbm>>
    tpu.wait_indirect_dma semaphore(%arg18 : memref<!tpu.dma_semaphore, #tpu.memory_space<semaphore_mem>>) src(%dma_wait3A_240 : memref<100000x32xf32, #tpu.memory_space<hbm>>) dst(%dma_wait3A_234 : memref<128x32xf32, #tpu.memory_space<vmem>>)
    %dma_wait3A_241 = arith.constant 2 : i32
    %dma_wait3A_242 = arith.constant 256 : i32
    %dma_wait3A_243 = arith.constant 0 : i32
    %dma_wait3A_244 = tpu.memref_slice %arg14[%dma_wait3A_242, %dma_wait3A_243] : memref<512x64xf32, #tpu.memory_space<vmem>> -> memref<128x64xf32, #tpu.memory_space<vmem>>
    %dma_wait3A_245 = arith.constant 0 : i32
    %dma_wait3A_246 = tpu.memref_slice %arg12[%dma_wait3A_241, %dma_wait3A_245] : memref<4x128xi32, #tpu.memory_space<vmem>> -> memref<1x128xi32, #tpu.memory_space<vmem>>
    %dma_wait3A_247 = tpu.memref_squeeze %dma_wait3A_246 : memref<1x128xi32, #tpu.memory_space<vmem>> -> memref<128xi32, #tpu.memory_space<vmem>>
    %dma_wait3A_248 = arith.constant 0 : i32
    %dma_wait3A_249 = arith.constant 0 : i32
    %dma_wait3A_250 = tpu.memref_slice %arg2[%dma_wait3A_248, %dma_wait3A_249] : memref<100000x64xf32, #tpu.memory_space<hbm>> -> memref<100000x64xf32, #tpu.memory_space<hbm>>
    tpu.wait_indirect_dma semaphore(%arg18 : memref<!tpu.dma_semaphore, #tpu.memory_space<semaphore_mem>>) src(%dma_wait3A_250 : memref<100000x64xf32, #tpu.memory_space<hbm>>) dst(%dma_wait3A_244 : memref<128x64xf32, #tpu.memory_space<vmem>>)
    %dma_wait3A_251 = arith.constant 2 : i32
    %dma_wait3A_252 = arith.constant 256 : i32
    %dma_wait3A_253 = arith.constant 0 : i32
    %dma_wait3A_254 = tpu.memref_slice %arg15[%dma_wait3A_252, %dma_wait3A_253] : memref<512x64xf32, #tpu.memory_space<vmem>> -> memref<128x64xf32, #tpu.memory_space<vmem>>
    %dma_wait3A_255 = arith.constant 0 : i32
    %dma_wait3A_256 = tpu.memref_slice %arg13[%dma_wait3A_251, %dma_wait3A_255] : memref<4x128xi32, #tpu.memory_space<vmem>> -> memref<1x128xi32, #tpu.memory_space<vmem>>
    %dma_wait3A_257 = tpu.memref_squeeze %dma_wait3A_256 : memref<1x128xi32, #tpu.memory_space<vmem>> -> memref<128xi32, #tpu.memory_space<vmem>>
    %dma_wait3A_258 = arith.constant 0 : i32
    %dma_wait3A_259 = arith.constant 0 : i32
    %dma_wait3A_260 = tpu.memref_slice %arg3[%dma_wait3A_258, %dma_wait3A_259] : memref<100000x64xf32, #tpu.memory_space<hbm>> -> memref<100000x64xf32, #tpu.memory_space<hbm>>
    tpu.wait_indirect_dma semaphore(%arg18 : memref<!tpu.dma_semaphore, #tpu.memory_space<semaphore_mem>>) src(%dma_wait3A_260 : memref<100000x64xf32, #tpu.memory_space<hbm>>) dst(%dma_wait3A_254 : memref<128x64xf32, #tpu.memory_space<vmem>>)
    %dma_wait3A_261 = arith.constant 2 : i32
    %dma_wait3A_262 = arith.constant 256 : i32
    %dma_wait3A_263 = arith.constant 0 : i32
    %dma_wait3A_264 = tpu.memref_slice %arg16[%dma_wait3A_262, %dma_wait3A_263] : memref<512x32xf32, #tpu.memory_space<vmem>> -> memref<128x32xf32, #tpu.memory_space<vmem>>
    %dma_wait3A_265 = arith.constant 0 : i32
    %dma_wait3A_266 = tpu.memref_slice %arg12[%dma_wait3A_261, %dma_wait3A_265] : memref<4x128xi32, #tpu.memory_space<vmem>> -> memref<1x128xi32, #tpu.memory_space<vmem>>
    %dma_wait3A_267 = tpu.memref_squeeze %dma_wait3A_266 : memref<1x128xi32, #tpu.memory_space<vmem>> -> memref<128xi32, #tpu.memory_space<vmem>>
    %dma_wait3A_268 = arith.constant 0 : i32
    %dma_wait3A_269 = arith.constant 0 : i32
    %dma_wait3A_270 = tpu.memref_slice %arg4[%dma_wait3A_268, %dma_wait3A_269] : memref<100000x32xf32, #tpu.memory_space<hbm>> -> memref<100000x32xf32, #tpu.memory_space<hbm>>
    tpu.wait_indirect_dma semaphore(%arg18 : memref<!tpu.dma_semaphore, #tpu.memory_space<semaphore_mem>>) src(%dma_wait3A_270 : memref<100000x32xf32, #tpu.memory_space<hbm>>) dst(%dma_wait3A_264 : memref<128x32xf32, #tpu.memory_space<vmem>>)
    %dma_wait3A_271 = arith.constant 2 : i32
    %dma_wait3A_272 = arith.constant 256 : i32
    %dma_wait3A_273 = arith.constant 0 : i32
    %dma_wait3A_274 = tpu.memref_slice %arg17[%dma_wait3A_272, %dma_wait3A_273] : memref<512x32xf32, #tpu.memory_space<vmem>> -> memref<128x32xf32, #tpu.memory_space<vmem>>
    %dma_wait3A_275 = arith.constant 0 : i32
    %dma_wait3A_276 = tpu.memref_slice %arg13[%dma_wait3A_271, %dma_wait3A_275] : memref<4x128xi32, #tpu.memory_space<vmem>> -> memref<1x128xi32, #tpu.memory_space<vmem>>
    %dma_wait3A_277 = tpu.memref_squeeze %dma_wait3A_276 : memref<1x128xi32, #tpu.memory_space<vmem>> -> memref<128xi32, #tpu.memory_space<vmem>>
    %dma_wait3A_278 = arith.constant 0 : i32
    %dma_wait3A_279 = arith.constant 0 : i32
    %dma_wait3A_280 = tpu.memref_slice %arg5[%dma_wait3A_278, %dma_wait3A_279] : memref<100000x32xf32, #tpu.memory_space<hbm>> -> memref<100000x32xf32, #tpu.memory_space<hbm>>
    tpu.wait_indirect_dma semaphore(%arg18 : memref<!tpu.dma_semaphore, #tpu.memory_space<semaphore_mem>>) src(%dma_wait3A_280 : memref<100000x32xf32, #tpu.memory_space<hbm>>) dst(%dma_wait3A_274 : memref<128x32xf32, #tpu.memory_space<vmem>>)
    %dma_wait3A_281 = arith.constant 3 : i32
    %dma_wait3A_282 = arith.constant 384 : i32
    %dma_wait3A_283 = arith.constant 0 : i32
    %dma_wait3A_284 = tpu.memref_slice %arg14[%dma_wait3A_282, %dma_wait3A_283] : memref<512x64xf32, #tpu.memory_space<vmem>> -> memref<128x64xf32, #tpu.memory_space<vmem>>
    %dma_wait3A_285 = arith.constant 0 : i32
    %dma_wait3A_286 = tpu.memref_slice %arg12[%dma_wait3A_281, %dma_wait3A_285] : memref<4x128xi32, #tpu.memory_space<vmem>> -> memref<1x128xi32, #tpu.memory_space<vmem>>
    %dma_wait3A_287 = tpu.memref_squeeze %dma_wait3A_286 : memref<1x128xi32, #tpu.memory_space<vmem>> -> memref<128xi32, #tpu.memory_space<vmem>>
    %dma_wait3A_288 = arith.constant 0 : i32
    %dma_wait3A_289 = arith.constant 0 : i32
    %dma_wait3A_290 = tpu.memref_slice %arg2[%dma_wait3A_288, %dma_wait3A_289] : memref<100000x64xf32, #tpu.memory_space<hbm>> -> memref<100000x64xf32, #tpu.memory_space<hbm>>
    tpu.wait_indirect_dma semaphore(%arg18 : memref<!tpu.dma_semaphore, #tpu.memory_space<semaphore_mem>>) src(%dma_wait3A_290 : memref<100000x64xf32, #tpu.memory_space<hbm>>) dst(%dma_wait3A_284 : memref<128x64xf32, #tpu.memory_space<vmem>>)
    %dma_wait3A_291 = arith.constant 3 : i32
    %dma_wait3A_292 = arith.constant 384 : i32
    %dma_wait3A_293 = arith.constant 0 : i32
    %dma_wait3A_294 = tpu.memref_slice %arg15[%dma_wait3A_292, %dma_wait3A_293] : memref<512x64xf32, #tpu.memory_space<vmem>> -> memref<128x64xf32, #tpu.memory_space<vmem>>
    %dma_wait3A_295 = arith.constant 0 : i32
    %dma_wait3A_296 = tpu.memref_slice %arg13[%dma_wait3A_291, %dma_wait3A_295] : memref<4x128xi32, #tpu.memory_space<vmem>> -> memref<1x128xi32, #tpu.memory_space<vmem>>
    %dma_wait3A_297 = tpu.memref_squeeze %dma_wait3A_296 : memref<1x128xi32, #tpu.memory_space<vmem>> -> memref<128xi32, #tpu.memory_space<vmem>>
    %dma_wait3A_298 = arith.constant 0 : i32
    %dma_wait3A_299 = arith.constant 0 : i32
    %dma_wait3A_300 = tpu.memref_slice %arg3[%dma_wait3A_298, %dma_wait3A_299] : memref<100000x64xf32, #tpu.memory_space<hbm>> -> memref<100000x64xf32, #tpu.memory_space<hbm>>
    tpu.wait_indirect_dma semaphore(%arg18 : memref<!tpu.dma_semaphore, #tpu.memory_space<semaphore_mem>>) src(%dma_wait3A_300 : memref<100000x64xf32, #tpu.memory_space<hbm>>) dst(%dma_wait3A_294 : memref<128x64xf32, #tpu.memory_space<vmem>>)
    %dma_wait3A_301 = arith.constant 3 : i32
    %dma_wait3A_302 = arith.constant 384 : i32
    %dma_wait3A_303 = arith.constant 0 : i32
    %dma_wait3A_304 = tpu.memref_slice %arg16[%dma_wait3A_302, %dma_wait3A_303] : memref<512x32xf32, #tpu.memory_space<vmem>> -> memref<128x32xf32, #tpu.memory_space<vmem>>
    %dma_wait3A_305 = arith.constant 0 : i32
    %dma_wait3A_306 = tpu.memref_slice %arg12[%dma_wait3A_301, %dma_wait3A_305] : memref<4x128xi32, #tpu.memory_space<vmem>> -> memref<1x128xi32, #tpu.memory_space<vmem>>
    %dma_wait3A_307 = tpu.memref_squeeze %dma_wait3A_306 : memref<1x128xi32, #tpu.memory_space<vmem>> -> memref<128xi32, #tpu.memory_space<vmem>>
    %dma_wait3A_308 = arith.constant 0 : i32
    %dma_wait3A_309 = arith.constant 0 : i32
    %dma_wait3A_310 = tpu.memref_slice %arg4[%dma_wait3A_308, %dma_wait3A_309] : memref<100000x32xf32, #tpu.memory_space<hbm>> -> memref<100000x32xf32, #tpu.memory_space<hbm>>
    tpu.wait_indirect_dma semaphore(%arg18 : memref<!tpu.dma_semaphore, #tpu.memory_space<semaphore_mem>>) src(%dma_wait3A_310 : memref<100000x32xf32, #tpu.memory_space<hbm>>) dst(%dma_wait3A_304 : memref<128x32xf32, #tpu.memory_space<vmem>>)
    %dma_wait3A_311 = arith.constant 3 : i32
    %dma_wait3A_312 = arith.constant 384 : i32
    %dma_wait3A_313 = arith.constant 0 : i32
    %dma_wait3A_314 = tpu.memref_slice %arg17[%dma_wait3A_312, %dma_wait3A_313] : memref<512x32xf32, #tpu.memory_space<vmem>> -> memref<128x32xf32, #tpu.memory_space<vmem>>
    %dma_wait3A_315 = arith.constant 0 : i32
    %dma_wait3A_316 = tpu.memref_slice %arg13[%dma_wait3A_311, %dma_wait3A_315] : memref<4x128xi32, #tpu.memory_space<vmem>> -> memref<1x128xi32, #tpu.memory_space<vmem>>
    %dma_wait3A_317 = tpu.memref_squeeze %dma_wait3A_316 : memref<1x128xi32, #tpu.memory_space<vmem>> -> memref<128xi32, #tpu.memory_space<vmem>>
    %dma_wait3A_318 = arith.constant 0 : i32
    %dma_wait3A_319 = arith.constant 0 : i32
    %dma_wait3A_320 = tpu.memref_slice %arg5[%dma_wait3A_318, %dma_wait3A_319] : memref<100000x32xf32, #tpu.memory_space<hbm>> -> memref<100000x32xf32, #tpu.memory_space<hbm>>
    tpu.wait_indirect_dma semaphore(%arg18 : memref<!tpu.dma_semaphore, #tpu.memory_space<semaphore_mem>>) src(%dma_wait3A_320 : memref<100000x32xf32, #tpu.memory_space<hbm>>) dst(%dma_wait3A_314 : memref<128x32xf32, #tpu.memory_space<vmem>>)
    "tpu.region"() ({
      %run_scoped3A = tpu.sem_alloc : memref<!tpu.dma_semaphore, #tpu.memory_space<semaphore_mem>>
      %dma_start3A_321 = arith.constant 0 : i32
      %dma_start3A_322 = tpu.memref_slice %arg8[%mul3A_2, %dma_start3A_321] : memref<16384x64xf32, #tpu.memory_space<hbm>> -> memref<512x64xf32, #tpu.memory_space<hbm>>
      %dma_start3A_323 = arith.constant 0 : i32
      %dma_start3A_324 = tpu.memref_slice %arg8[%mul3A_2, %dma_start3A_323] : memref<16384x64xf32, #tpu.memory_space<hbm>> -> memref<512x64xf32, #tpu.memory_space<hbm>>
      tpu.enqueue_dma source(%arg14 : memref<512x64xf32, #tpu.memory_space<vmem>>) target(%dma_start3A_324 : memref<512x64xf32, #tpu.memory_space<hbm>>) target_semaphore(%run_scoped3A : memref<!tpu.dma_semaphore, #tpu.memory_space<semaphore_mem>>)
      %dma_wait3A_325 = arith.constant 0 : i32
      %dma_wait3A_326 = tpu.memref_slice %arg8[%mul3A_2, %dma_wait3A_325] : memref<16384x64xf32, #tpu.memory_space<hbm>> -> memref<512x64xf32, #tpu.memory_space<hbm>>
      %dma_wait3A_327 = arith.constant 0 : i32
      %dma_wait3A_328 = tpu.memref_slice %arg8[%mul3A_2, %dma_wait3A_327] : memref<16384x64xf32, #tpu.memory_space<hbm>> -> memref<512x64xf32, #tpu.memory_space<hbm>>
      tpu.wait_dma2 semaphore(%run_scoped3A : memref<!tpu.dma_semaphore, #tpu.memory_space<semaphore_mem>>) src(%arg14 : memref<512x64xf32, #tpu.memory_space<vmem>>) dst(%dma_wait3A_328 : memref<512x64xf32, #tpu.memory_space<hbm>>)
      tpu.yield
    }) : () -> ()
    "tpu.region"() ({
      %run_scoped3A = tpu.sem_alloc : memref<!tpu.dma_semaphore, #tpu.memory_space<semaphore_mem>>
      %dma_start3A_321 = arith.constant 0 : i32
      %dma_start3A_322 = tpu.memref_slice %arg9[%mul3A_2, %dma_start3A_321] : memref<16384x64xf32, #tpu.memory_space<hbm>> -> memref<512x64xf32, #tpu.memory_space<hbm>>
      %dma_start3A_323 = arith.constant 0 : i32
      %dma_start3A_324 = tpu.memref_slice %arg9[%mul3A_2, %dma_start3A_323] : memref<16384x64xf32, #tpu.memory_space<hbm>> -> memref<512x64xf32, #tpu.memory_space<hbm>>
      tpu.enqueue_dma source(%arg15 : memref<512x64xf32, #tpu.memory_space<vmem>>) target(%dma_start3A_324 : memref<512x64xf32, #tpu.memory_space<hbm>>) target_semaphore(%run_scoped3A : memref<!tpu.dma_semaphore, #tpu.memory_space<semaphore_mem>>)
      %dma_wait3A_325 = arith.constant 0 : i32
      %dma_wait3A_326 = tpu.memref_slice %arg9[%mul3A_2, %dma_wait3A_325] : memref<16384x64xf32, #tpu.memory_space<hbm>> -> memref<512x64xf32, #tpu.memory_space<hbm>>
      %dma_wait3A_327 = arith.constant 0 : i32
      %dma_wait3A_328 = tpu.memref_slice %arg9[%mul3A_2, %dma_wait3A_327] : memref<16384x64xf32, #tpu.memory_space<hbm>> -> memref<512x64xf32, #tpu.memory_space<hbm>>
      tpu.wait_dma2 semaphore(%run_scoped3A : memref<!tpu.dma_semaphore, #tpu.memory_space<semaphore_mem>>) src(%arg15 : memref<512x64xf32, #tpu.memory_space<vmem>>) dst(%dma_wait3A_328 : memref<512x64xf32, #tpu.memory_space<hbm>>)
      tpu.yield
    }) : () -> ()
    "tpu.region"() ({
      %run_scoped3A = tpu.sem_alloc : memref<!tpu.dma_semaphore, #tpu.memory_space<semaphore_mem>>
      %dma_start3A_321 = arith.constant 0 : i32
      %dma_start3A_322 = tpu.memref_slice %arg10[%mul3A_2, %dma_start3A_321] : memref<16384x32xf32, #tpu.memory_space<hbm>> -> memref<512x32xf32, #tpu.memory_space<hbm>>
      %dma_start3A_323 = arith.constant 0 : i32
      %dma_start3A_324 = tpu.memref_slice %arg10[%mul3A_2, %dma_start3A_323] : memref<16384x32xf32, #tpu.memory_space<hbm>> -> memref<512x32xf32, #tpu.memory_space<hbm>>
      tpu.enqueue_dma source(%arg16 : memref<512x32xf32, #tpu.memory_space<vmem>>) target(%dma_start3A_324 : memref<512x32xf32, #tpu.memory_space<hbm>>) target_semaphore(%run_scoped3A : memref<!tpu.dma_semaphore, #tpu.memory_space<semaphore_mem>>)
      %dma_wait3A_325 = arith.constant 0 : i32
      %dma_wait3A_326 = tpu.memref_slice %arg10[%mul3A_2, %dma_wait3A_325] : memref<16384x32xf32, #tpu.memory_space<hbm>> -> memref<512x32xf32, #tpu.memory_space<hbm>>
      %dma_wait3A_327 = arith.constant 0 : i32
      %dma_wait3A_328 = tpu.memref_slice %arg10[%mul3A_2, %dma_wait3A_327] : memref<16384x32xf32, #tpu.memory_space<hbm>> -> memref<512x32xf32, #tpu.memory_space<hbm>>
      tpu.wait_dma2 semaphore(%run_scoped3A : memref<!tpu.dma_semaphore, #tpu.memory_space<semaphore_mem>>) src(%arg16 : memref<512x32xf32, #tpu.memory_space<vmem>>) dst(%dma_wait3A_328 : memref<512x32xf32, #tpu.memory_space<hbm>>)
      tpu.yield
    }) : () -> ()
    "tpu.region"() ({
      %run_scoped3A = tpu.sem_alloc : memref<!tpu.dma_semaphore, #tpu.memory_space<semaphore_mem>>
      %dma_start3A_321 = arith.constant 0 : i32
      %dma_start3A_322 = tpu.memref_slice %arg11[%mul3A_2, %dma_start3A_321] : memref<16384x32xf32, #tpu.memory_space<hbm>> -> memref<512x32xf32, #tpu.memory_space<hbm>>
      %dma_start3A_323 = arith.constant 0 : i32
      %dma_start3A_324 = tpu.memref_slice %arg11[%mul3A_2, %dma_start3A_323] : memref<16384x32xf32, #tpu.memory_space<hbm>> -> memref<512x32xf32, #tpu.memory_space<hbm>>
      tpu.enqueue_dma source(%arg17 : memref<512x32xf32, #tpu.memory_space<vmem>>) target(%dma_start3A_324 : memref<512x32xf32, #tpu.memory_space<hbm>>) target_semaphore(%run_scoped3A : memref<!tpu.dma_semaphore, #tpu.memory_space<semaphore_mem>>)
      %dma_wait3A_325 = arith.constant 0 : i32
      %dma_wait3A_326 = tpu.memref_slice %arg11[%mul3A_2, %dma_wait3A_325] : memref<16384x32xf32, #tpu.memory_space<hbm>> -> memref<512x32xf32, #tpu.memory_space<hbm>>
      %dma_wait3A_327 = arith.constant 0 : i32
      %dma_wait3A_328 = tpu.memref_slice %arg11[%mul3A_2, %dma_wait3A_327] : memref<16384x32xf32, #tpu.memory_space<hbm>> -> memref<512x32xf32, #tpu.memory_space<hbm>>
      tpu.wait_dma2 semaphore(%run_scoped3A : memref<!tpu.dma_semaphore, #tpu.memory_space<semaphore_mem>>) src(%arg17 : memref<512x32xf32, #tpu.memory_space<vmem>>) dst(%dma_wait3A_328 : memref<512x32xf32, #tpu.memory_space<hbm>>)
      tpu.yield
    }) : () -> ()
    return
  }
}

module attributes {stable_mosaic.version = 14 : i64} {
  func.func @_tc_dense_body(%arg0: i32, %arg1: memref<2048x64xf32, #tpu.memory_space<vmem>>, %arg2: memref<2048x64xf32, #tpu.memory_space<vmem>>, %arg3: memref<2048x32xf32, #tpu.memory_space<vmem>>, %arg4: memref<2048x32xf32, #tpu.memory_space<vmem>>, %arg5: memref<32x64xf32, #tpu.memory_space<vmem>>, %arg6: memref<32x64xf32, #tpu.memory_space<vmem>>, %arg7: memref<64x64xf32, #tpu.memory_space<vmem>>, %arg8: memref<64x64xf32, #tpu.memory_space<vmem>>, %arg9: memref<1x64xf32, #tpu.memory_space<vmem>>, %arg10: memref<1x64xf32, #tpu.memory_space<vmem>>, %arg11: memref<1x64xf32, #tpu.memory_space<vmem>>, %arg12: memref<1x64xf32, #tpu.memory_space<vmem>>, %arg13: memref<1x1xf32, #tpu.memory_space<vmem>>, %arg14: memref<1x2xf32, #tpu.memory_space<vmem>>, %arg15: memref<1x1xf32, #tpu.memory_space<vmem>>, %arg16: memref<2048x1xf32, #tpu.memory_space<vmem>>) attributes {dimension_semantics = [#tpu.dimension_semantics<arbitrary>], iteration_bounds = array<i64: 8>, scalar_prefetch = 0 : i64, scratch_operands = 0 : i64, tpu.core_type = #tpu.core_type<tc>, window_params = [{transform_indices = @transform_0, window_bounds = array<i64: 2048, 64>}, {transform_indices = @transform_1, window_bounds = array<i64: 2048, 64>}, {transform_indices = @transform_2, window_bounds = array<i64: 2048, 32>}, {transform_indices = @transform_3, window_bounds = array<i64: 2048, 32>}, {pipeline_mode = #tpu.pipeline_mode<synchronous>, transform_indices = @transform_4, window_bounds = array<i64: 32, 64>}, {pipeline_mode = #tpu.pipeline_mode<synchronous>, transform_indices = @transform_5, window_bounds = array<i64: 32, 64>}, {pipeline_mode = #tpu.pipeline_mode<synchronous>, transform_indices = @transform_6, window_bounds = array<i64: 64, 64>}, {pipeline_mode = #tpu.pipeline_mode<synchronous>, transform_indices = @transform_7, window_bounds = array<i64: 64, 64>}, {pipeline_mode = #tpu.pipeline_mode<synchronous>, transform_indices = @transform_8, window_bounds = array<i64: 1, 64>}, {pipeline_mode = #tpu.pipeline_mode<synchronous>, transform_indices = @transform_9, window_bounds = array<i64: 1, 64>}, {pipeline_mode = #tpu.pipeline_mode<synchronous>, transform_indices = @transform_10, window_bounds = array<i64: 1, 64>}, {pipeline_mode = #tpu.pipeline_mode<synchronous>, transform_indices = @transform_11, window_bounds = array<i64: 1, 64>}, {pipeline_mode = #tpu.pipeline_mode<synchronous>, transform_indices = @transform_12, window_bounds = array<i64: 1, 1>}, {pipeline_mode = #tpu.pipeline_mode<synchronous>, transform_indices = @transform_13, window_bounds = array<i64: 1, 2>}, {pipeline_mode = #tpu.pipeline_mode<synchronous>, transform_indices = @transform_14, window_bounds = array<i64: 1, 1>}, {transform_indices = @transform_15, window_bounds = array<i64: 2048, 1>}]} {
    %get3A = arith.constant 0 : index
    %get3A_0 = arith.constant 0 : index
    %get3A_1 = vector.load %arg1[%get3A, %get3A_0] : memref<2048x64xf32, #tpu.memory_space<vmem>>, vector<2048x64xf32>
    %get3A_2 = arith.constant 0 : index
    %get3A_3 = arith.constant 0 : index
    %get3A_4 = vector.load %arg2[%get3A_2, %get3A_3] : memref<2048x64xf32, #tpu.memory_space<vmem>>, vector<2048x64xf32>
    %mul3A = arith.mulf %get3A_1, %get3A_4 : vector<2048x64xf32>
    %reduce_sum3A = arith.constant dense<0.000000e+00> : vector<2048xf32>
    %reduce_sum3A_5 = vector.multi_reduction <add>, %mul3A, %reduce_sum3A [1] : vector<2048x64xf32> to vector<2048xf32>
    %broadcast_in_dim3A = vector.shape_cast %reduce_sum3A_5 : vector<2048xf32> to vector<2048x1xf32>
    %neg3A = arith.constant 0.000000e+00 : f32
    %neg3A_6 = vector.broadcast %neg3A : f32 to vector<2048x1xf32>
    %neg3A_7 = arith.subf %neg3A_6, %broadcast_in_dim3A : vector<2048x1xf32>
    %exp3A = math.exp %neg3A_7 : vector<2048x1xf32>
    %add3A = arith.constant 1.000000e+00 : f32
    %add3A_8 = vector.broadcast %add3A : f32 to vector<2048x1xf32>
    %add3A_9 = arith.addf %add3A_8, %exp3A : vector<2048x1xf32>
    %div3A = arith.constant 1.000000e+00 : f32
    %div3A_10 = vector.broadcast %div3A : f32 to vector<2048x1xf32>
    %div3A_11 = arith.divf %div3A_10, %add3A_9 : vector<2048x1xf32>
    %get3A_12 = arith.constant 0 : index
    %get3A_13 = arith.constant 0 : index
    %get3A_14 = vector.load %arg3[%get3A_12, %get3A_13] : memref<2048x32xf32, #tpu.memory_space<vmem>>, vector<2048x32xf32>
    %get3A_15 = arith.constant 0 : index
    %get3A_16 = arith.constant 0 : index
    %get3A_17 = vector.load %arg5[%get3A_15, %get3A_16] : memref<32x64xf32, #tpu.memory_space<vmem>>, vector<32x64xf32>
    %dot_general3A = arith.constant dense<0.000000e+00> : vector<2048x64xf32>
    %dot_general3A_18 = tpu.matmul %get3A_14, %get3A_17, %dot_general3A {dimension_numbers = #tpu.dot_dimension_numbers<[1], [0], [0], [1], [0, 0, 1, 1], [], []>, transpose_lhs_hint = false} : vector<2048x32xf32>, vector<32x64xf32>, vector<2048x64xf32> -> vector<2048x64xf32>
    %get3A_19 = arith.constant 0 : index
    %get3A_20 = arith.constant 0 : index
    %get3A_21 = vector.load %arg4[%get3A_19, %get3A_20] : memref<2048x32xf32, #tpu.memory_space<vmem>>, vector<2048x32xf32>
    %get3A_22 = arith.constant 0 : index
    %get3A_23 = arith.constant 0 : index
    %get3A_24 = vector.load %arg6[%get3A_22, %get3A_23] : memref<32x64xf32, #tpu.memory_space<vmem>>, vector<32x64xf32>
    %dot_general3A_25 = arith.constant dense<0.000000e+00> : vector<2048x64xf32>
    %dot_general3A_26 = tpu.matmul %get3A_21, %get3A_24, %dot_general3A_25 {dimension_numbers = #tpu.dot_dimension_numbers<[1], [0], [0], [1], [0, 0, 1, 1], [], []>, transpose_lhs_hint = false} : vector<2048x32xf32>, vector<32x64xf32>, vector<2048x64xf32> -> vector<2048x64xf32>
    %add3A_27 = arith.addf %dot_general3A_18, %dot_general3A_26 : vector<2048x64xf32>
    %get3A_28 = arith.constant 0 : index
    %get3A_29 = arith.constant 0 : index
    %get3A_30 = vector.load %arg10[%get3A_28, %get3A_29] : memref<1x64xf32, #tpu.memory_space<vmem>>, vector<1x64xf32>
    %add3A_31 = vector.broadcast %get3A_30 : vector<1x64xf32> to vector<2048x64xf32>
    %add3A_32 = arith.addf %add3A_27, %add3A_31 : vector<2048x64xf32>
    %max3A = arith.constant 0.000000e+00 : f32
    %max3A_33 = vector.broadcast %max3A : f32 to vector<2048x64xf32>
    %max3A_34 = arith.maximumf %add3A_32, %max3A_33 : vector<2048x64xf32>
    %get3A_35 = arith.constant 0 : index
    %get3A_36 = arith.constant 0 : index
    %get3A_37 = vector.load %arg7[%get3A_35, %get3A_36] : memref<64x64xf32, #tpu.memory_space<vmem>>, vector<64x64xf32>
    %dot_general3A_38 = arith.constant dense<0.000000e+00> : vector<2048x64xf32>
    %dot_general3A_39 = tpu.matmul %max3A_34, %get3A_37, %dot_general3A_38 {dimension_numbers = #tpu.dot_dimension_numbers<[1], [0], [0], [1], [0, 0, 1, 1], [], []>, transpose_lhs_hint = false} : vector<2048x64xf32>, vector<64x64xf32>, vector<2048x64xf32> -> vector<2048x64xf32>
    %get3A_40 = arith.constant 0 : index
    %get3A_41 = arith.constant 0 : index
    %get3A_42 = vector.load %arg11[%get3A_40, %get3A_41] : memref<1x64xf32, #tpu.memory_space<vmem>>, vector<1x64xf32>
    %add3A_43 = vector.broadcast %get3A_42 : vector<1x64xf32> to vector<2048x64xf32>
    %add3A_44 = arith.addf %dot_general3A_39, %add3A_43 : vector<2048x64xf32>
    %max3A_45 = arith.constant 0.000000e+00 : f32
    %max3A_46 = vector.broadcast %max3A_45 : f32 to vector<2048x64xf32>
    %max3A_47 = arith.maximumf %add3A_44, %max3A_46 : vector<2048x64xf32>
    %get3A_48 = arith.constant 0 : index
    %get3A_49 = arith.constant 0 : index
    %get3A_50 = vector.load %arg8[%get3A_48, %get3A_49] : memref<64x64xf32, #tpu.memory_space<vmem>>, vector<64x64xf32>
    %dot_general3A_51 = arith.constant dense<0.000000e+00> : vector<2048x64xf32>
    %dot_general3A_52 = tpu.matmul %max3A_47, %get3A_50, %dot_general3A_51 {dimension_numbers = #tpu.dot_dimension_numbers<[1], [0], [0], [1], [0, 0, 1, 1], [], []>, transpose_lhs_hint = false} : vector<2048x64xf32>, vector<64x64xf32>, vector<2048x64xf32> -> vector<2048x64xf32>
    %get3A_53 = arith.constant 0 : index
    %get3A_54 = arith.constant 0 : index
    %get3A_55 = vector.load %arg12[%get3A_53, %get3A_54] : memref<1x64xf32, #tpu.memory_space<vmem>>, vector<1x64xf32>
    %add3A_56 = vector.broadcast %get3A_55 : vector<1x64xf32> to vector<2048x64xf32>
    %add3A_57 = arith.addf %dot_general3A_52, %add3A_56 : vector<2048x64xf32>
    %max3A_58 = arith.constant 0.000000e+00 : f32
    %max3A_59 = vector.broadcast %max3A_58 : f32 to vector<2048x64xf32>
    %max3A_60 = arith.maximumf %add3A_57, %max3A_59 : vector<2048x64xf32>
    %get3A_61 = arith.constant 0 : index
    %get3A_62 = arith.constant 0 : index
    %get3A_63 = vector.load %arg9[%get3A_61, %get3A_62] : memref<1x64xf32, #tpu.memory_space<vmem>>, vector<1x64xf32>
    %mul3A_64 = vector.broadcast %get3A_63 : vector<1x64xf32> to vector<2048x64xf32>
    %mul3A_65 = arith.mulf %max3A_60, %mul3A_64 : vector<2048x64xf32>
    %reduce_sum3A_66 = arith.constant dense<0.000000e+00> : vector<2048xf32>
    %reduce_sum3A_67 = vector.multi_reduction <add>, %mul3A_65, %reduce_sum3A_66 [1] : vector<2048x64xf32> to vector<2048xf32>
    %broadcast_in_dim3A_68 = vector.shape_cast %reduce_sum3A_67 : vector<2048xf32> to vector<2048x1xf32>
    %get3A_69 = arith.constant 0 : index
    %get3A_70 = arith.constant 0 : index
    %get3A_71 = vector.load %arg13[%get3A_69, %get3A_70] : memref<1x1xf32, #tpu.memory_space<vmem>>, vector<1x1xf32>
    %add3A_72 = vector.broadcast %get3A_71 : vector<1x1xf32> to vector<2048x1xf32>
    %add3A_73 = arith.addf %broadcast_in_dim3A_68, %add3A_72 : vector<2048x1xf32>
    %neg3A_74 = arith.constant 0.000000e+00 : f32
    %neg3A_75 = vector.broadcast %neg3A_74 : f32 to vector<2048x1xf32>
    %neg3A_76 = arith.subf %neg3A_75, %add3A_73 : vector<2048x1xf32>
    %exp3A_77 = math.exp %neg3A_76 : vector<2048x1xf32>
    %add3A_78 = arith.constant 1.000000e+00 : f32
    %add3A_79 = vector.broadcast %add3A_78 : f32 to vector<2048x1xf32>
    %add3A_80 = arith.addf %add3A_79, %exp3A_77 : vector<2048x1xf32>
    %div3A_81 = arith.constant 1.000000e+00 : f32
    %div3A_82 = vector.broadcast %div3A_81 : f32 to vector<2048x1xf32>
    %div3A_83 = arith.divf %div3A_82, %add3A_80 : vector<2048x1xf32>
    %get3A_84 = arith.constant 0 : index
    %get3A_85 = arith.constant 0 : index
    %get3A_86 = vector.load %arg14[%get3A_84, %get3A_85] : memref<1x2xf32, #tpu.memory_space<vmem>>, vector<1x2xf32>
    %slice3A = vector.extract_strided_slice %get3A_86 {offsets = [0, 0], sizes = [1, 1], strides = [1, 1]} : vector<1x2xf32> to vector<1x1xf32>
    %mul3A_87 = vector.broadcast %slice3A : vector<1x1xf32> to vector<2048x1xf32>
    %mul3A_88 = arith.mulf %div3A_11, %mul3A_87 : vector<2048x1xf32>
    %slice3A_89 = vector.extract_strided_slice %get3A_86 {offsets = [0, 1], sizes = [1, 1], strides = [1, 1]} : vector<1x2xf32> to vector<1x1xf32>
    %mul3A_90 = vector.broadcast %slice3A_89 : vector<1x1xf32> to vector<2048x1xf32>
    %mul3A_91 = arith.mulf %div3A_83, %mul3A_90 : vector<2048x1xf32>
    %add3A_92 = arith.addf %mul3A_88, %mul3A_91 : vector<2048x1xf32>
    %get3A_93 = arith.constant 0 : index
    %get3A_94 = arith.constant 0 : index
    %get3A_95 = vector.load %arg15[%get3A_93, %get3A_94] : memref<1x1xf32, #tpu.memory_space<vmem>>, vector<1x1xf32>
    %add3A_96 = vector.broadcast %get3A_95 : vector<1x1xf32> to vector<2048x1xf32>
    %add3A_97 = arith.addf %add3A_92, %add3A_96 : vector<2048x1xf32>
    %neg3A_98 = arith.constant 0.000000e+00 : f32
    %neg3A_99 = vector.broadcast %neg3A_98 : f32 to vector<2048x1xf32>
    %neg3A_100 = arith.subf %neg3A_99, %add3A_97 : vector<2048x1xf32>
    %exp3A_101 = math.exp %neg3A_100 : vector<2048x1xf32>
    %add3A_102 = arith.constant 1.000000e+00 : f32
    %add3A_103 = vector.broadcast %add3A_102 : f32 to vector<2048x1xf32>
    %add3A_104 = arith.addf %add3A_103, %exp3A_101 : vector<2048x1xf32>
    %div3A_105 = arith.constant 1.000000e+00 : f32
    %div3A_106 = vector.broadcast %div3A_105 : f32 to vector<2048x1xf32>
    %div3A_107 = arith.divf %div3A_106, %add3A_104 : vector<2048x1xf32>
    %swap3A = arith.constant 0 : index
    %swap3A_108 = arith.constant 0 : index
    %swap3A_109 = vector.load %arg16[%swap3A, %swap3A_108] : memref<2048x1xf32, #tpu.memory_space<vmem>>, vector<2048x1xf32>
    tpu.vector_store %arg16[%swap3A, %swap3A_108], %div3A_107 {strides = array<i32>} : memref<2048x1xf32, #tpu.memory_space<vmem>>, vector<2048x1xf32>,
    return
  }
  func.func @transform_0(%arg0: i32) -> (i32, i32) {
    %c0_i32 = arith.constant 0 : i32
    %c0_i32_0 = arith.constant 0 : i32
    return %arg0, %c0_i32 : i32, i32
  }
  func.func @transform_1(%arg0: i32) -> (i32, i32) {
    %c0_i32 = arith.constant 0 : i32
    %c0_i32_0 = arith.constant 0 : i32
    return %arg0, %c0_i32 : i32, i32
  }
  func.func @transform_2(%arg0: i32) -> (i32, i32) {
    %c0_i32 = arith.constant 0 : i32
    %c0_i32_0 = arith.constant 0 : i32
    return %arg0, %c0_i32 : i32, i32
  }
  func.func @transform_3(%arg0: i32) -> (i32, i32) {
    %c0_i32 = arith.constant 0 : i32
    %c0_i32_0 = arith.constant 0 : i32
    return %arg0, %c0_i32 : i32, i32
  }
  func.func @transform_4(%arg0: i32) -> (i32, i32) {
    %c0_i32 = arith.constant 0 : i32
    %c0_i32_0 = arith.constant 0 : i32
    %c0_i32_1 = arith.constant 0 : i32
    return %c0_i32, %c0_i32_0 : i32, i32
  }
  func.func @transform_5(%arg0: i32) -> (i32, i32) {
    %c0_i32 = arith.constant 0 : i32
    %c0_i32_0 = arith.constant 0 : i32
    %c0_i32_1 = arith.constant 0 : i32
    return %c0_i32, %c0_i32_0 : i32, i32
  }
  func.func @transform_6(%arg0: i32) -> (i32, i32) {
    %c0_i32 = arith.constant 0 : i32
    %c0_i32_0 = arith.constant 0 : i32
    %c0_i32_1 = arith.constant 0 : i32
    return %c0_i32, %c0_i32_0 : i32, i32
  }
  func.func @transform_7(%arg0: i32) -> (i32, i32) {
    %c0_i32 = arith.constant 0 : i32
    %c0_i32_0 = arith.constant 0 : i32
    %c0_i32_1 = arith.constant 0 : i32
    return %c0_i32, %c0_i32_0 : i32, i32
  }
  func.func @transform_8(%arg0: i32) -> (i32, i32) {
    %c0_i32 = arith.constant 0 : i32
    %c0_i32_0 = arith.constant 0 : i32
    %c0_i32_1 = arith.constant 0 : i32
    return %c0_i32, %c0_i32_0 : i32, i32
  }
  func.func @transform_9(%arg0: i32) -> (i32, i32) {
    %c0_i32 = arith.constant 0 : i32
    %c0_i32_0 = arith.constant 0 : i32
    %c0_i32_1 = arith.constant 0 : i32
    return %c0_i32, %c0_i32_0 : i32, i32
  }
  func.func @transform_10(%arg0: i32) -> (i32, i32) {
    %c0_i32 = arith.constant 0 : i32
    %c0_i32_0 = arith.constant 0 : i32
    %c0_i32_1 = arith.constant 0 : i32
    return %c0_i32, %c0_i32_0 : i32, i32
  }
  func.func @transform_11(%arg0: i32) -> (i32, i32) {
    %c0_i32 = arith.constant 0 : i32
    %c0_i32_0 = arith.constant 0 : i32
    %c0_i32_1 = arith.constant 0 : i32
    return %c0_i32, %c0_i32_0 : i32, i32
  }
  func.func @transform_12(%arg0: i32) -> (i32, i32) {
    %c0_i32 = arith.constant 0 : i32
    %c0_i32_0 = arith.constant 0 : i32
    %c0_i32_1 = arith.constant 0 : i32
    return %c0_i32, %c0_i32_0 : i32, i32
  }
  func.func @transform_13(%arg0: i32) -> (i32, i32) {
    %c0_i32 = arith.constant 0 : i32
    %c0_i32_0 = arith.constant 0 : i32
    %c0_i32_1 = arith.constant 0 : i32
    return %c0_i32, %c0_i32_0 : i32, i32
  }
  func.func @transform_14(%arg0: i32) -> (i32, i32) {
    %c0_i32 = arith.constant 0 : i32
    %c0_i32_0 = arith.constant 0 : i32
    %c0_i32_1 = arith.constant 0 : i32
    return %c0_i32, %c0_i32_0 : i32, i32
  }
  func.func @transform_15(%arg0: i32) -> (i32, i32) {
    %c0_i32 = arith.constant 0 : i32
    %c0_i32_0 = arith.constant 0 : i32
    return %arg0, %c0_i32 : i32, i32
  }
}

</mosaic_0001>

<sc_bundles>
// kernel: kernel.4.cloned.1.call-start
scs
__scs_entry_jumppad:
0x0: {  	(pc) =	sbr.rel $0x88, $3  }
0x1: {  	(tag) =	ssettag $0x0;
	lr =	simm.s32 $0x1  }
0x2: {  	[smem:$0x3F91] =	sst lr;
	_ =	strace $0xD0000000  }
0x3: {  	_ = 	snop  }
0x4: {  	_ = 	snop  }
0x5: {  	_ = 	snop  }
0x6: {  	_ = 	snop  }
0x7: {  	_ = 	snop  }
__scs_overlays_trampoline_lowered:
0x8: {  	[smem:$0x3FA0] =	sst s0  }
0x9: {  	[smem:$0x3FA1] =	sst s1  }
0xa: {  	[smem:$0x3FA2] =	sst s2  }
0xb: {  	[smem:$0x3FA3] =	sst s3  }
0xc: {  	[smem:$0x3FA4] =	sst s4  }
0xd: {  	[smem:$0x3FA5] =	sst s5  }
0xe: {  	[smem:$0x3FA6] =	sst s6  }
0xf: {  	[smem:$0x3FA7] =	sst s7  }
0x10: {  	[smem:$0x3FA8] =	sst s8  }
0x11: {  	[smem:$0x3FA9] =	sst s9;
	s0 =	simm.s32 @!p0 $0x0  }
0x12: {  	s1 =	sld [smem:$0x3F8F];
	s0 =	simm.s32 @p0 $0x1  }
0x13: {  	[smem:$0x3FAA] =	sst s0;
	s0 =	simm.s32 @!p1 $0x0  }
0x14: {  	s2 =	sld [smem:$0x3F8E];
	s0 =	simm.s32 @p1 $0x1  }
0x15: {  	[smem:$0x3FAB] =	sst s0;
	s0 =	simm.s32 @!p2 $0x0  }
0x16: {  	s3 =	sld [smem:$0x3FDB];
	s0 =	simm.s32 @p2 $0x1  }
0x17: {  	s4 =	simm.s32 $0x1BF5;
	[smem:$0x3FAD] =	sst s0  }
0x18: {  	s0 =	sld [smem:$0x3F90];
	_ =	swait.ge [sflag:s4], $0x0  }
0x19: {  	s7 =	sld [smem:$0x3F91]  }
0x1a: {  	s8 =	sadd.s32 $0xFFFFE003, lr  }
0x1b: {  	s9 =	sadd.s32 $0xFFFFFEF7, lr;
	s5 =	simm.s32 $0xFFFFFFFF;
	p2 =	slt.u32 s8, $0xFFFFF086  }
0x1c: {  	p1 =	slt.u32 s9, $0xF7A;
	s5 =	simm.s32 @!p2 $0x0  }
0x1d: {  	s5 =	simm.s32 @p1 $0x1;
	p0 =	seq.s32 s7, s2  }
0x1e: {  	s7 =	smul.u32 @!p0 $0xF7A, s2;
	p2 =	seq.s32 @!p0 s5, $0x0  }
0x1f: {  	s9 =	smul.u32 $0xF7A, s1;
	s8 =	simm.s32 @!p0 $0x1BF5;
	p2 =	por !p2, p0  }
0x20: {  	[sflag:s8] =	ssyncset.s32 @!p0 $0xFFFFF086;
	s6 =	sadd.s32 @!p0 s3, s7;
	s7 =	simm.s32 @!p0 $0x108  }
0x21: {  	s3 =	sadd.s32 s3, s9;
	s6 =	sadd.s32 @!p0 $0x88, s6;
	s7 =	simm.s32 @p2 $0x1082  }
0x22: {  	[simem:s7], [sflag:s8] =	dma.local @!p0 [hbm:s6], $0xF7A  }
0x23: {  	s9 =	sor.u32 $0xD0000000, s2;
	s6 =	simm.s32 $0x108;
	_ =	swait.ge @!p0 [sflag:s8], $0x0  }
0x24: {  	s3 =	sadd.s32 $0x88, s3;
	s6 =	simm.s32 @!p1 $0x1082;
	[sflag:s4] =	ssyncset.s32 $0xFFFFF086  }
0x25: {  	[simem:s6], [sflag:s4] =	dma.local [hbm:s3], $0xF7A  }
0x26: {  	[smem:$0x3F91] =	sst s1;
	(tag) =	ssettag s2;
	_ =	strace s9  }
0x27: {  	s1 =	sld [smem:$0x3FA1]  }
0x28: {  	s2 =	sld [smem:$0x3FA2]  }
0x29: {  	s4 =	sld [smem:$0x3FA4]  }
0x2a: {  	p0 =	seq.s32 s5, $0x0;
	s5 =	sld [smem:$0x3FA5]  }
0x2b: {  	s6 =	sld [smem:$0x3FA6]  }
0x2c: {  	s7 =	sld [smem:$0x3FA7]  }
0x2d: {  	s3 =	simm.s32 $0x108;
	s8 =	sld [smem:$0x3FA8]  }
0x2e: {  	s3 =	simm.s32 @!p0 $0x1082;
	s9 =	sld [smem:$0x3FA9]  }
0x2f: {  	lr =	sadd.s32 s0, s3;
	s0 =	sld [smem:$0x3FA0]  }
0x30: {  	s3 =	sld [smem:$0x3FA3]  }
0x31: {  	[smem:$0x3FAC] =	sst s10  }
0x32: {  	s10 =	sld [smem:$0x3FAA];
	_ =	sdelay $0x3  }
0x33: {  	p0 =	seq.s32 s10, $0x1;
	s10 =	sld [smem:$0x3FAC];
	_ =	sdelay $0x3  }
0x34: {  	[smem:$0x3FAC] =	sst s10  }
0x35: {  	s10 =	sld [smem:$0x3FAB];
	_ =	sdelay $0x3  }
0x36: {  	p1 =	seq.s32 s10, $0x1;
	s10 =	sld [smem:$0x3FAC];
	_ =	sdelay $0x3  }
0x37: {  	[smem:$0x3FAC] =	sst s10  }
0x38: {  	s10 =	sld [smem:$0x3FAD]  }
0x39: {  	_ = 	snop;
	(pc) =	sbr.ind lr, $3  }
0x3a: {  	_ = 	snop  }
0x3b: {  	_ = 	snop  }
0x3c: {  	p2 =	seq.s32 s10, $0x1;
	s10 =	sld [smem:$0x3FAC]  }
0x3d: {  	_ =	shalt  }
0x3e: {  	_ =	shalt  }
0x3f: {  	_ =	shalt  }
0x40: {  	_ =	shalt  }
0x41: {  	_ =	shalt  }
0x42: {  	_ =	shalt  }
0x43: {  	_ =	shalt  }
0x44: {  	_ =	shalt  }
0x45: {  	_ =	shalt  }
0x46: {  	_ =	shalt  }
0x47: {  	_ =	shalt  }
0x48: {  	_ =	shalt  }
0x49: {  	_ =	shalt  }
0x4a: {  	_ =	shalt  }
0x4b: {  	_ =	shalt  }
0x4c: {  	_ =	shalt  }
0x4d: {  	_ =	shalt  }
0x4e: {  	_ =	shalt  }
0x4f: {  	_ =	shalt  }
0x50: {  	_ =	shalt  }
0x51: {  	_ =	shalt  }
0x52: {  	_ =	shalt  }
0x53: {  	_ =	shalt  }
0x54: {  	_ =	shalt  }
0x55: {  	_ =	shalt  }
0x56: {  	_ =	shalt  }
0x57: {  	_ =	shalt  }
0x58: {  	_ =	shalt  }
0x59: {  	_ =	shalt  }
0x5a: {  	_ =	shalt  }
0x5b: {  	_ =	shalt  }
0x5c: {  	_ =	shalt  }
0x5d: {  	_ =	shalt  }
0x5e: {  	_ =	shalt  }
0x5f: {  	_ =	shalt  }
0x60: {  	_ =	shalt  }
0x61: {  	_ =	shalt  }
0x62: {  	_ =	shalt  }
0x63: {  	_ =	shalt  }
0x64: {  	_ =	shalt  }
0x65: {  	_ =	shalt  }
0x66: {  	_ =	shalt  }
0x67: {  	_ =	shalt  }
0x68: {  	_ =	shalt  }
0x69: {  	_ =	shalt  }
0x6a: {  	_ =	shalt  }
0x6b: {  	_ =	shalt  }
0x6c: {  	_ =	shalt  }
0x6d: {  	_ =	shalt  }
0x6e: {  	_ =	shalt  }
0x6f: {  	_ =	shalt  }
0x70: {  	_ =	shalt  }
0x71: {  	_ =	shalt  }
0x72: {  	_ =	shalt  }
0x73: {  	_ =	shalt  }
0x74: {  	_ =	shalt  }
0x75: {  	_ =	shalt  }
0x76: {  	_ =	shalt  }
0x77: {  	_ =	shalt  }
0x78: {  	_ =	shalt  }
0x79: {  	_ =	shalt  }
0x7a: {  	_ =	shalt  }
0x7b: {  	_ =	shalt  }
0x7c: {  	_ =	shalt  }
0x7d: {  	_ =	shalt  }
0x7e: {  	_ =	shalt  }
0x7f: {  	_ =	shalt  }
0x80: {  	_ =	shalt  }
0x81: {  	_ =	shalt  }
0x82: {  	_ =	shalt  }
0x83: {  	_ =	shalt  }
0x84: {  	_ =	shalt  }
0x85: {  	_ =	shalt  }
0x86: {  	_ =	shalt  }
0x87: {  	_ =	shalt  }
.Lfunc_end0:
.L_simem_size_0:
called_computation_lowered:
.L_overlay_start_0:
0x88: {  	s2 =	sld [smem:$0x3FD9]  }
0x89: {  	s3 =	sld [smem:$0x3FFE];
	_ =	sdelay $0x1  }
0x8a: {  	s1 =	srdreg.scid  }
0x8b: {  	s0 =	sand.u32 $0x1, s1  }
0x8c: {  	s17 =	sshll.u32 s0, $0xA;
	s2 =	sadd.s32 s3, s2  }
0x8d: {  	s2 =	sadd.s32 s2, s17  }
0x8e: {  	[smem:$0x3FB8] =	sst s2  }
0x8f: {  	_ = 	snop  }
0x90: {  	s2 =	sld [smem:$0x3FC9]  }
0x91: {  	s18 =	sld [smem:$0x3FC8];
	(tm) =	ssettm $0x1  }
0x92: {  	s4 =	sld [smem:$0x3FFB];
	_ =	sdelay $0x3  }
0x93: {  	_ =	strace s4  }
0x94: {  	s4 =	sld [smem:$0x3FFC];
	_ =	sdelay $0x3  }
0x95: {  	_ =	strace s4  }
0x96: {  	s4 =	sld [smem:$0x3FFD];
	_ =	sdelay $0x3  }
0x97: {  	_ =	strace s4  }
0x98: {  	_ =	strace $0x8FFFFFFF  }
0x99: {  	s19 =	sld [smem:$0x3FDB];
	_ =	sdelay $0x1  }
0x9a: {  	s5 =	simm.s32 $_scs_section_size  }
0x9b: {  	s6 =	simm.s32 $_size__tile_overlayer_lowered;
	s7 =	simm.s32 $_tile_overlayer_lowered  }
0x9c: {  	s22 =	simm.s32 $0x1BFF;
	s21 =	sshll.u32 s7, $0x1;
	s4 =	sadd.s32 s5, s19  }
0x9d: {  	s8 =	simm.s32 $0x0;
	s20 =	sshll.u32 s6, $0x1;
	s6 =	sadd.s32 s21, s4  }
0x9e: {  	[timem:s8], [sflag:s22] =	dma.local [hbm:s6], s20  }
0x9f: {  	_ =	swait.ge [sflag:s22], s20  }
0xa0: {  	s5 =	ssub.s32 $0x0, s20;
	[sflag:s22] =	ssyncset.done $0x0  }
0xa1: {  	[sflag:s22] =	ssyncadd.s32 s5;
	_ =	sdelay $0x1  }
0xa2: {  	s23 =	simm.s32 $0x1B8B  }
0xa3: {  	_ =	swait.ge [sflag:s23], $0x1  }
0xa4: {  	[sflag:s23] =	ssyncset.done $0x0  }
0xa5: {  	s25 =	simm.s32 $0x1B8E;
	s24 =	sld [smem:$0x3FFE];
	[sflag:s23] =	ssyncadd.s32 $0xFFFFFFFF  }
0xa6: {  	s26 =	simm.s32 $execute0_lowered;
	[smem:$0x3FD2] =	sst s25  }
0xa7: {  	s6 =	sshll.u32 s26, $0x1;
	_ =	strace $0x80000046;
	[dreg:$0x1] =	wrdreg $0xFFFFFFFF  }
0xa8: {  	s28 =	simm.s32 $_size_execute0_lowered;
	s4 =	sadd.s32 s4, s6;
	[dreg:$0x0] =	wrdreg $0x0  }
0xa9: {  	s6 =	sshll.u32 s28, $0x1;
	[dreg:$0x2] =	wrdreg s4  }
0xaa: {  	[dreg:$0x3] =	wrdreg s6  }
0xab: {  	[dreg:$0x4] =	wrdreg $0xC0  }
0xac: {  	_ =	task [dreg:s8], $0x5FFFF  }
0xad: {  	[dreg:$0x1] =	wrdreg $0xFFFFFFFF  }
0xae: {  	[dreg:$0x0] =	wrdreg $0x60  }
0xaf: {  	[dreg:$0x2] =	wrdreg s24  }
0xb0: {  	[dreg:$0x3] =	wrdreg s2  }
0xb1: {  	[dreg:$0x4] =	wrdreg s18  }
0xb2: {  	[dreg:$0x5] =	wrdreg $0x9  }
0xb3: {  	_ =	task.clear_ibuf [dreg:s8], $0x6FFFF;
	_ =	strace $0x90000046  }
0xb4: {  	s29 =	simm.s32 $0x9;
	_ =	strace $0x80000048  }
0xb5: {  	_ =	swait.ge [sflag:s29], $0x1  }
0xb6: {  	[sflag:s29] =	ssyncadd.s32 $0xFFFFFFFF  }
0xb7: {  	_ =	strace $0x90000048  }
0xb8: {  	_ =	sfence  }
0xb9: {  	s30 =	sld [smem:$0x0];
	_ =	sdelay $0x2  }
0xba: {  	s31 =	sshll.u32 s1, $0xD;
	s1 =	sshrl.u32 s1, $0x2  }
0xbb: {  	s3 =	sand.u32 $0x4000, s31;
	s1 =	sadd.s32 s1, s30  }
0xbc: {  	s0 =	sor.u32 s3, s0;
	s1 =	sshll.u32 s1, $0x11  }
0xbd: {  	s0 =	sor.u32 s1, s0  }
0xbe: {  	s0 =	sadd.s32 $0x8F2B, s0  }
0xbf: {  	[sflag:s0] =	ssyncadd.remote.s32 $0x1  }
0xc0: {  	_ =	sfence.sel $0xFFFF  }
0xc1: {  	[dreg:$0x0] =	wrdreg $0xFFFFFFFF;
	(pc) =	sbr.abs _section_cstart, $3  }
0xc2: {  	[dreg:$0x1] =	wrdreg $0xFFFFFFFF  }
0xc3: {  	_ =	task.clear_ibuf [dreg:s8], $0x2FFFF;
	_ =	strace $0x9FFFFFFF  }
0xc4: {  	(tm) =	ssettm $0x7FFFFFFF  }
0xc5: {  	_ =	shalt  }
tec
execute0_lowered:
.L_overlay_start_1:
0x0: {  	(tag) =	ssettag $0x1  }
0x1: {  	s0 =	rddreg [dreg:$0x0]  }
0x2: {  	s1 =	rddreg [dreg:$0x1]  }
0x3: {  	s3 =	rddreg [dreg:$0x2];
	s4 =	srdreg.scid;
	s2 =	simm.s32 $0x0  }
0x4: {  	s5 =	stileid.u32;
	s14 =	simm.s32 $0x200;
	s13 =	simm.s32 $0x80  }
0x5: {  	s15 =	simm.s32 $0x280;
	s18 =	simm.s32 $0xA400;
	s19 =	simm.s32 $0x11400  }
0x6: {  	s20 =	simm.s32 $0x15400;
	s16 =	simm.s32 $0x100;
	s17 =	simm.s32 $0x300  }
0x7: {  	s21 =	simm.s32 $0x180;
	p0 =	por $0x0, $0x0;
	s28 =	simm.s32 $0x6400  }
0x8: {  	s29 =	simm.s32 $0xE400;
	s30 =	simm.s32 $0x13400;
	s31 =	simm.s32 $0x17400  }
0x9: {  	[smem:$0x7FF] =	sst s2;
	s5 =	sshll.u32 s5, $0xA;
	s8 =	sadd.s32 $0x24EA00, s0  }
0xa: {  	s4 =	sand.u32 $0x1, s4;
	s9 =	sadd.s32 $0x18B400, s0;
	s11 =	sadd.s32 $0x373C00, s0  }
0xb: {  	s12 =	sadd.s32 $0x312000, s0;
	s6 =	sshll.u32 s4, $0x9;
	s4 =	ssub.s32 $0x2, s4  }
0xc: {  	_ =	strace $0x80000047;
	s5 =	sor.u32 s6, s5;
	s26 =	sshrl.u32 s4, $0x1  }
0xd: {  	s6 =	sshll.u32 s5, $0x3;
	s7 =	sshrl.u32 s5, $0x3;
	s5 =	sshll.u32 s5, $0x2  }
0xe: {  	s4 =	ssub.s32 s4, s26;
	s26 =	simm.s32 $0x2400;
	s6 =	sadd.s32 s6, s0  }
0xf: {  	s1 =	sadd.s32 s1, s7;
	s22 =	sadd.s32 s3, s7;
	s23 =	sadd.s32 s5, s0  }
0x10: {  	s10 =	smax.u32 s4, $0x1;
	s3 =	simm.s32 $0x2;
	[dreg:$0xa] =	wrdreg s26  }
0x11: {  	s5 =	simm.s32 $0x10400;
	s4 =	simm.s32 $0x14400;
	[dreg:$0x4] =	wrdreg s1  }
0x12: {  	s26 =	simm.s32 $0x380;
	[dreg:$0x5] =	wrdreg s22;
	s24 =	sadd.s32 $0x44A00, s6  }
0x13: {  	s25 =	sadd.s32 $0x24A00, s6;
	s6 =	sadd.s32 $0x14A00, s23;
	p1 =	sne.s32 s10, $0x1  }
.Ltmp0:
0x14: {  	s7 =	sadd.s32 $0x4A00, s23;
	[dreg:$0x6] =	wrdreg s24;
	(pc) =	sbr.rel @!p1 .LBB2_3-.Ltmp0, $4  }
0x15: {  	s22 =	simm.s32 $0x4400;
	s23 =	simm.s32 $0xC400;
	[dreg:$0x7] =	wrdreg s25  }
0x16: {  	s0 =	sadd.s32 $0xFFFFFFFF, s10;
	s10 =	simm.s32 $0x1;
	[dreg:$0x8] =	wrdreg s6  }
0x17: {  	[dreg:$0x9] =	wrdreg s7;
	s7 =	simm.s32 $0x400;
	s6 =	simm.s32 $0x8400  }
0x18: {  	s24 =	simm.s32 $0x12400;
	s25 =	simm.s32 $0x16400;
	s1 =	rddreg [dreg:$0x4]  }
0x19: {  	[tilespmem:s2], [sflag:$0x2] =	stream.linear.gather [hbm4b:s1+s2], $0x200, $0x38;
	[tilespmem:$0x18400] =	vst v63  }
0x1a: {  	_ =	swait.ge [sflag:s3], $0x200  }
0x1b: {  	[sflag:s3] =	ssyncset.done $0x0  }
0x1c: {  	s1 =	rddreg [dreg:$0x5];
	[sflag:s3] =	ssyncadd.s32 $0xFFFFFE00  }
0x1d: {  	[tilespmem:s14], [sflag:$0x2] =	stream.linear.gather [hbm4b:s1+s2], $0x200, $0x38;
	[tilespmem:$0x18400] =	vst v63  }
0x1e: {  	_ =	swait.ge [sflag:s3], $0x200  }
0x1f: {  	[sflag:s3] =	ssyncset.done $0x0  }
0x20: {  	[sflag:s3] =	ssyncadd.s32 $0xFFFFFE00  }
0x21: {  	[tilespmem:s7], [sflag:$0x1] =	stream.indirect.gather [hbm4b:s8+s13], $0x40, s2, s13, $0xb8;
	[tilespmem:$0x18400] =	vst v63  }
0x22: {  	_ = 	snop  }
0x23: {  	[tilespmem:s6], [sflag:$0x1] =	stream.indirect.gather [hbm4b:s9+s13], $0x40, s14, s13, $0xb8;
	[tilespmem:$0x18400] =	vst v63  }
0x24: {  	_ = 	snop  }
0x25: {  	[tilespmem:s5], [sflag:$0x1] =	stream.indirect.gather [hbm4b:s11+s13], $0x20, s2, s13, $0xb8;
	[tilespmem:$0x18400] =	vst v63  }
0x26: {  	_ = 	snop  }
0x27: {  	[tilespmem:s4], [sflag:$0x1] =	stream.indirect.gather [hbm4b:s12+s13], $0x20, s14, s13, $0xb8;
	[tilespmem:$0x18400] =	vst v63  }
0x28: {  	s1 =	rddreg [dreg:$0xa]  }
0x29: {  	[tilespmem:s1], [sflag:$0x1] =	stream.indirect.gather [hbm4b:s8+s13], $0x40, s13, s13, $0xb8;
	[tilespmem:$0x18400] =	vst v63  }
0x2a: {  	_ = 	snop  }
0x2b: {  	[tilespmem:s18], [sflag:$0x1] =	stream.indirect.gather [hbm4b:s9+s13], $0x40, s15, s13, $0xb8;
	[tilespmem:$0x18400] =	vst v63  }
0x2c: {  	_ = 	snop  }
0x2d: {  	[tilespmem:s19], [sflag:$0x1] =	stream.indirect.gather [hbm4b:s11+s13], $0x20, s13, s13, $0xb8;
	[tilespmem:$0x18400] =	vst v63  }
0x2e: {  	_ = 	snop  }
0x2f: {  	[tilespmem:s20], [sflag:$0x1] =	stream.indirect.gather [hbm4b:s12+s13], $0x20, s15, s13, $0xb8;
	[tilespmem:$0x18400] =	vst v63  }
0x30: {  	_ = 	snop  }
0x31: {  	[tilespmem:s22], [sflag:$0x1] =	stream.indirect.gather [hbm4b:s8+s13], $0x40, s16, s13, $0xb8;
	[tilespmem:$0x18400] =	vst v63  }
0x32: {  	_ = 	snop  }
0x33: {  	[tilespmem:s23], [sflag:$0x1] =	stream.indirect.gather [hbm4b:s9+s13], $0x40, s17, s13, $0xb8;
	[tilespmem:$0x18400] =	vst v63  }
0x34: {  	_ = 	snop  }
0x35: {  	[tilespmem:s24], [sflag:$0x1] =	stream.indirect.gather [hbm4b:s11+s13], $0x20, s16, s13, $0xb8;
	[tilespmem:$0x18400] =	vst v63  }
0x36: {  	_ = 	snop  }
0x37: {  	[tilespmem:s25], [sflag:$0x1] =	stream.indirect.gather [hbm4b:s12+s13], $0x20, s17, s13, $0xb8;
	[tilespmem:$0x18400] =	vst v63  }
0x38: {  	_ = 	snop  }
0x39: {  	[tilespmem:s28], [sflag:$0x1] =	stream.indirect.gather [hbm4b:s8+s13], $0x40, s21, s13, $0xb8;
	[tilespmem:$0x18400] =	vst v63  }
0x3a: {  	_ = 	snop  }
0x3b: {  	[tilespmem:s29], [sflag:$0x1] =	stream.indirect.gather [hbm4b:s9+s13], $0x40, s26, s13, $0xb8;
	[tilespmem:$0x18400] =	vst v63  }
0x3c: {  	_ = 	snop  }
0x3d: {  	[tilespmem:s30], [sflag:$0x1] =	stream.indirect.gather [hbm4b:s11+s13], $0x20, s21, s13, $0xb8;
	[tilespmem:$0x18400] =	vst v63  }
0x3e: {  	_ = 	snop  }
0x3f: {  	[tilespmem:s31], [sflag:$0x1] =	stream.indirect.gather [hbm4b:s12+s13], $0x20, s26, s13, $0xb8;
	[tilespmem:$0x18400] =	vst v63  }
0x40: {  	_ =	swait.ge [sflag:s10], $0x2000  }
0x41: {  	[sflag:s10] =	ssyncset.done $0x0  }
0x42: {  	[sflag:s10] =	ssyncadd.s32 $0xFFFFE000  }
0x43: {  	_ =	swait.ge [sflag:s10], $0x2000  }
0x44: {  	[sflag:s10] =	ssyncset.done $0x0  }
0x45: {  	[sflag:s10] =	ssyncadd.s32 $0xFFFFE000  }
0x46: {  	_ =	swait.ge [sflag:s10], $0x1000  }
0x47: {  	[sflag:s10] =	ssyncset.done $0x0  }
0x48: {  	[sflag:s10] =	ssyncadd.s32 $0xFFFFF000  }
0x49: {  	_ =	swait.ge [sflag:s10], $0x1000  }
0x4a: {  	[sflag:s10] =	ssyncset.done $0x0  }
0x4b: {  	[sflag:s10] =	ssyncadd.s32 $0xFFFFF000  }
0x4c: {  	_ =	swait.ge [sflag:s10], $0x2000  }
0x4d: {  	[sflag:s10] =	ssyncset.done $0x0  }
0x4e: {  	[sflag:s10] =	ssyncadd.s32 $0xFFFFE000  }
0x4f: {  	_ =	swait.ge [sflag:s10], $0x2000  }
0x50: {  	[sflag:s10] =	ssyncset.done $0x0  }
0x51: {  	[sflag:s10] =	ssyncadd.s32 $0xFFFFE000  }
0x52: {  	_ =	swait.ge [sflag:s10], $0x1000  }
0x53: {  	[sflag:s10] =	ssyncset.done $0x0  }
0x54: {  	[sflag:s10] =	ssyncadd.s32 $0xFFFFF000  }
0x55: {  	_ =	swait.ge [sflag:s10], $0x1000  }
0x56: {  	[sflag:s10] =	ssyncset.done $0x0  }
0x57: {  	[sflag:s10] =	ssyncadd.s32 $0xFFFFF000  }
0x58: {  	_ =	swait.ge [sflag:s10], $0x2000  }
0x59: {  	[sflag:s10] =	ssyncset.done $0x0  }
0x5a: {  	[sflag:s10] =	ssyncadd.s32 $0xFFFFE000  }
0x5b: {  	_ =	swait.ge [sflag:s10], $0x2000  }
0x5c: {  	[sflag:s10] =	ssyncset.done $0x0  }
0x5d: {  	[sflag:s10] =	ssyncadd.s32 $0xFFFFE000  }
0x5e: {  	_ =	swait.ge [sflag:s10], $0x1000  }
0x5f: {  	[sflag:s10] =	ssyncset.done $0x0  }
0x60: {  	[sflag:s10] =	ssyncadd.s32 $0xFFFFF000  }
0x61: {  	_ =	swait.ge [sflag:s10], $0x1000  }
0x62: {  	[sflag:s10] =	ssyncset.done $0x0  }
0x63: {  	[sflag:s10] =	ssyncadd.s32 $0xFFFFF000  }
0x64: {  	_ =	swait.ge [sflag:s10], $0x2000  }
0x65: {  	[sflag:s10] =	ssyncset.done $0x0  }
0x66: {  	[sflag:s10] =	ssyncadd.s32 $0xFFFFE000  }
0x67: {  	_ =	swait.ge [sflag:s10], $0x2000  }
0x68: {  	[sflag:s10] =	ssyncset.done $0x0  }
0x69: {  	[sflag:s10] =	ssyncadd.s32 $0xFFFFE000  }
0x6a: {  	_ =	swait.ge [sflag:s10], $0x1000  }
0x6b: {  	[sflag:s10] =	ssyncset.done $0x0  }
0x6c: {  	[sflag:s10] =	ssyncadd.s32 $0xFFFFF000  }
0x6d: {  	_ =	swait.ge [sflag:s10], $0x1000  }
0x6e: {  	[sflag:s10] =	ssyncset.done $0x0  }
0x6f: {  	s1 =	rddreg [dreg:$0x6];
	[sflag:s10] =	ssyncadd.s32 $0xFFFFF000  }
0x70: {  	[hbm4b:s1+s2] =	stream.linear.scatter [tilespmem:s7], [sflag:$0x2], $0x8000, $0x38;
	[tilespmem:$0x18400] =	vst v63  }
0x71: {  	_ =	swait.ge [sflag:s3], $0x8000  }
0x72: {  	[sflag:s3] =	ssyncset.done $0x0  }
0x73: {  	s1 =	rddreg [dreg:$0x7];
	[sflag:s3] =	ssyncadd.s32 $0xFFFF8000  }
0x74: {  	[hbm4b:s1+s2] =	stream.linear.scatter [tilespmem:s6], [sflag:$0x2], $0x8000, $0x38;
	[tilespmem:$0x18400] =	vst v63  }
0x75: {  	_ =	swait.ge [sflag:s3], $0x8000  }
0x76: {  	[sflag:s3] =	ssyncset.done $0x0  }
0x77: {  	s1 =	rddreg [dreg:$0x8];
	[sflag:s3] =	ssyncadd.s32 $0xFFFF8000  }
0x78: {  	[hbm4b:s1+s2] =	stream.linear.scatter [tilespmem:s5], [sflag:$0x2], $0x4000, $0x38;
	[tilespmem:$0x18400] =	vst v63  }
0x79: {  	p1 =	sne.s32 s0, $0x1;
	_ =	swait.ge [sflag:s3], $0x4000  }
.Ltmp1:
0x7a: {  	[sflag:s3] =	ssyncset.done $0x0;
	(pc) =	sbr.rel @!p1 .LBB2_3-.Ltmp1, $4  }
0x7b: {  	s1 =	rddreg [dreg:$0x9];
	[sflag:s3] =	ssyncadd.s32 $0xFFFFC000  }
0x7c: {  	[hbm4b:s1+s2] =	stream.linear.scatter [tilespmem:s4], [sflag:$0x2], $0x4000, $0x38;
	[tilespmem:$0x18400] =	vst v63  }
0x7d: {  	s0 =	sadd.s32 $0xFFFFFFFF, s0;
	_ =	swait.ge [sflag:s3], $0x4000  }
0x7e: {  	p0 =	por $0x1, $0x1;
	s1 =	rddreg [dreg:$0x4];
	[sflag:s3] =	ssyncset.done $0x0  }
.LBB2_2:
0x7f: {  	[sflag:s3] =	ssyncadd.s32 $0xFFFFC000  }
0x80: {  	[tilespmem:s2], [sflag:$0x2] =	stream.linear.gather [hbm4b:s1+s2], $0x200, $0x38;
	[tilespmem:$0x18400] =	vst v63  }
0x81: {  	_ =	swait.ge [sflag:s3], $0x200  }
0x82: {  	[sflag:s3] =	ssyncset.done $0x0  }
0x83: {  	s1 =	rddreg [dreg:$0x5];
	[sflag:s3] =	ssyncadd.s32 $0xFFFFFE00  }
0x84: {  	[tilespmem:s14], [sflag:$0x2] =	stream.linear.gather [hbm4b:s1+s2], $0x200, $0x38;
	[tilespmem:$0x18400] =	vst v63  }
0x85: {  	_ =	swait.ge [sflag:s3], $0x200  }
0x86: {  	[sflag:s3] =	ssyncset.done $0x0  }
0x87: {  	[sflag:s3] =	ssyncadd.s32 $0xFFFFFE00  }
0x88: {  	[tilespmem:s7], [sflag:$0x1] =	stream.indirect.gather [hbm4b:s8+s13], $0x40, s2, s13, $0xb8;
	[tilespmem:$0x18400] =	vst v63  }
0x89: {  	_ = 	snop  }
0x8a: {  	[tilespmem:s6], [sflag:$0x1] =	stream.indirect.gather [hbm4b:s9+s13], $0x40, s14, s13, $0xb8;
	[tilespmem:$0x18400] =	vst v63  }
0x8b: {  	_ = 	snop  }
0x8c: {  	[tilespmem:s5], [sflag:$0x1] =	stream.indirect.gather [hbm4b:s11+s13], $0x20, s2, s13, $0xb8;
	[tilespmem:$0x18400] =	vst v63  }
0x8d: {  	_ = 	snop  }
0x8e: {  	[tilespmem:s4], [sflag:$0x1] =	stream.indirect.gather [hbm4b:s12+s13], $0x20, s14, s13, $0xb8;
	[tilespmem:$0x18400] =	vst v63  }
0x8f: {  	s1 =	rddreg [dreg:$0xa]  }
0x90: {  	[tilespmem:s1], [sflag:$0x1] =	stream.indirect.gather [hbm4b:s8+s13], $0x40, s13, s13, $0xb8;
	[tilespmem:$0x18400] =	vst v63  }
0x91: {  	_ = 	snop  }
0x92: {  	[tilespmem:s18], [sflag:$0x1] =	stream.indirect.gather [hbm4b:s9+s13], $0x40, s15, s13, $0xb8;
	[tilespmem:$0x18400] =	vst v63  }
0x93: {  	_ = 	snop  }
0x94: {  	[tilespmem:s19], [sflag:$0x1] =	stream.indirect.gather [hbm4b:s11+s13], $0x20, s13, s13, $0xb8;
	[tilespmem:$0x18400] =	vst v63  }
0x95: {  	_ = 	snop  }
0x96: {  	[tilespmem:s20], [sflag:$0x1] =	stream.indirect.gather [hbm4b:s12+s13], $0x20, s15, s13, $0xb8;
	[tilespmem:$0x18400] =	vst v63  }
0x97: {  	_ = 	snop  }
0x98: {  	[tilespmem:s22], [sflag:$0x1] =	stream.indirect.gather [hbm4b:s8+s13], $0x40, s16, s13, $0xb8;
	[tilespmem:$0x18400] =	vst v63  }
0x99: {  	_ = 	snop  }
0x9a: {  	[tilespmem:s23], [sflag:$0x1] =	stream.indirect.gather [hbm4b:s9+s13], $0x40, s17, s13, $0xb8;
	[tilespmem:$0x18400] =	vst v63  }
0x9b: {  	_ = 	snop  }
0x9c: {  	[tilespmem:s24], [sflag:$0x1] =	stream.indirect.gather [hbm4b:s11+s13], $0x20, s16, s13, $0xb8;
	[tilespmem:$0x18400] =	vst v63  }
0x9d: {  	_ = 	snop  }
0x9e: {  	[tilespmem:s25], [sflag:$0x1] =	stream.indirect.gather [hbm4b:s12+s13], $0x20, s17, s13, $0xb8;
	[tilespmem:$0x18400] =	vst v63  }
0x9f: {  	_ = 	snop  }
0xa0: {  	[tilespmem:s28], [sflag:$0x1] =	stream.indirect.gather [hbm4b:s8+s13], $0x40, s21, s13, $0xb8;
	[tilespmem:$0x18400] =	vst v63  }
0xa1: {  	_ = 	snop  }
0xa2: {  	[tilespmem:s29], [sflag:$0x1] =	stream.indirect.gather [hbm4b:s9+s13], $0x40, s26, s13, $0xb8;
	[tilespmem:$0x18400] =	vst v63  }
0xa3: {  	_ = 	snop  }
0xa4: {  	[tilespmem:s30], [sflag:$0x1] =	stream.indirect.gather [hbm4b:s11+s13], $0x20, s21, s13, $0xb8;
	[tilespmem:$0x18400] =	vst v63  }
0xa5: {  	_ = 	snop  }
0xa6: {  	[tilespmem:s31], [sflag:$0x1] =	stream.indirect.gather [hbm4b:s12+s13], $0x20, s26, s13, $0xb8;
	[tilespmem:$0x18400] =	vst v63  }
0xa7: {  	_ =	swait.ge [sflag:s10], $0x2000  }
0xa8: {  	[sflag:s10] =	ssyncset.done $0x0  }
0xa9: {  	[sflag:s10] =	ssyncadd.s32 $0xFFFFE000  }
0xaa: {  	_ =	swait.ge [sflag:s10], $0x2000  }
0xab: {  	[sflag:s10] =	ssyncset.done $0x0  }
0xac: {  	[sflag:s10] =	ssyncadd.s32 $0xFFFFE000  }
0xad: {  	_ =	swait.ge [sflag:s10], $0x1000  }
0xae: {  	[sflag:s10] =	ssyncset.done $0x0  }
0xaf: {  	[sflag:s10] =	ssyncadd.s32 $0xFFFFF000  }
0xb0: {  	_ =	swait.ge [sflag:s10], $0x1000  }
0xb1: {  	[sflag:s10] =	ssyncset.done $0x0  }
0xb2: {  	[sflag:s10] =	ssyncadd.s32 $0xFFFFF000  }
0xb3: {  	_ =	swait.ge [sflag:s10], $0x2000  }
0xb4: {  	[sflag:s10] =	ssyncset.done $0x0  }
0xb5: {  	[sflag:s10] =	ssyncadd.s32 $0xFFFFE000  }
0xb6: {  	_ =	swait.ge [sflag:s10], $0x2000  }
0xb7: {  	[sflag:s10] =	ssyncset.done $0x0  }
0xb8: {  	[sflag:s10] =	ssyncadd.s32 $0xFFFFE000  }
0xb9: {  	_ =	swait.ge [sflag:s10], $0x1000  }
0xba: {  	[sflag:s10] =	ssyncset.done $0x0  }
0xbb: {  	[sflag:s10] =	ssyncadd.s32 $0xFFFFF000  }
0xbc: {  	_ =	swait.ge [sflag:s10], $0x1000  }
0xbd: {  	[sflag:s10] =	ssyncset.done $0x0  }
0xbe: {  	[sflag:s10] =	ssyncadd.s32 $0xFFFFF000  }
0xbf: {  	_ =	swait.ge [sflag:s10], $0x2000  }
0xc0: {  	[sflag:s10] =	ssyncset.done $0x0  }
0xc1: {  	[sflag:s10] =	ssyncadd.s32 $0xFFFFE000  }
0xc2: {  	_ =	swait.ge [sflag:s10], $0x2000  }
0xc3: {  	[sflag:s10] =	ssyncset.done $0x0  }
0xc4: {  	[sflag:s10] =	ssyncadd.s32 $0xFFFFE000  }
0xc5: {  	_ =	swait.ge [sflag:s10], $0x1000  }
0xc6: {  	[sflag:s10] =	ssyncset.done $0x0  }
0xc7: {  	[sflag:s10] =	ssyncadd.s32 $0xFFFFF000  }
0xc8: {  	_ =	swait.ge [sflag:s10], $0x1000  }
0xc9: {  	[sflag:s10] =	ssyncset.done $0x0  }
0xca: {  	[sflag:s10] =	ssyncadd.s32 $0xFFFFF000  }
0xcb: {  	_ =	swait.ge [sflag:s10], $0x2000  }
0xcc: {  	[sflag:s10] =	ssyncset.done $0x0  }
0xcd: {  	[sflag:s10] =	ssyncadd.s32 $0xFFFFE000  }
0xce: {  	_ =	swait.ge [sflag:s10], $0x2000  }
0xcf: {  	[sflag:s10] =	ssyncset.done $0x0  }
0xd0: {  	[sflag:s10] =	ssyncadd.s32 $0xFFFFE000  }
0xd1: {  	_ =	swait.ge [sflag:s10], $0x1000  }
0xd2: {  	[sflag:s10] =	ssyncset.done $0x0  }
0xd3: {  	[sflag:s10] =	ssyncadd.s32 $0xFFFFF000  }
0xd4: {  	_ =	swait.ge [sflag:s10], $0x1000  }
0xd5: {  	[sflag:s10] =	ssyncset.done $0x0  }
0xd6: {  	s1 =	rddreg [dreg:$0x6];
	[sflag:s10] =	ssyncadd.s32 $0xFFFFF000  }
0xd7: {  	[hbm4b:s1+s2] =	stream.linear.scatter [tilespmem:s7], [sflag:$0x2], $0x8000, $0x38;
	[tilespmem:$0x18400] =	vst v63  }
0xd8: {  	_ =	swait.ge [sflag:s3], $0x8000  }
0xd9: {  	[sflag:s3] =	ssyncset.done $0x0  }
0xda: {  	s1 =	rddreg [dreg:$0x7];
	[sflag:s3] =	ssyncadd.s32 $0xFFFF8000  }
0xdb: {  	[hbm4b:s1+s2] =	stream.linear.scatter [tilespmem:s6], [sflag:$0x2], $0x8000, $0x38;
	[tilespmem:$0x18400] =	vst v63  }
0xdc: {  	_ =	swait.ge [sflag:s3], $0x8000  }
0xdd: {  	[sflag:s3] =	ssyncset.done $0x0  }
0xde: {  	s1 =	rddreg [dreg:$0x8];
	[sflag:s3] =	ssyncadd.s32 $0xFFFF8000  }
0xdf: {  	[hbm4b:s1+s2] =	stream.linear.scatter [tilespmem:s5], [sflag:$0x2], $0x4000, $0x38;
	[tilespmem:$0x18400] =	vst v63  }
0xe0: {  	p1 =	sne.s32 s0, $0x1;
	_ =	swait.ge [sflag:s3], $0x4000  }
.Ltmp2:
0xe1: {  	[sflag:s3] =	ssyncset.done $0x0;
	(pc) =	sbr.rel @p1 .LBB2_2-.Ltmp2, $4  }
0xe2: {  	s1 =	rddreg [dreg:$0x9];
	[sflag:s3] =	ssyncadd.s32 $0xFFFFC000  }
0xe3: {  	[hbm4b:s1+s2] =	stream.linear.scatter [tilespmem:s4], [sflag:$0x2], $0x4000, $0x38;
	[tilespmem:$0x18400] =	vst v63  }
0xe4: {  	_ =	swait.ge [sflag:s3], $0x4000  }
0xe5: {  	s0 =	sadd.s32 $0xFFFFFFFF, s0;
	s1 =	rddreg [dreg:$0x4];
	[sflag:s3] =	ssyncset.done $0x0  }
.LBB2_3:
0xe6: {  	[sflag:s3] =	ssyncadd.s32 @p0 $0xFFFFC000  }
0xe7: {  	[tilespmem:s2], [sflag:$0x2] =	stream.linear.gather [hbm4b:s1+s2], $0x200, $0x38;
	[tilespmem:$0x18400] =	vst v63  }
0xe8: {  	_ =	swait.ge [sflag:s3], $0x200  }
0xe9: {  	[sflag:s3] =	ssyncset.done $0x0  }
0xea: {  	s0 =	rddreg [dreg:$0x5];
	[sflag:s3] =	ssyncadd.s32 $0xFFFFFE00  }
0xeb: {  	[tilespmem:s14], [sflag:$0x2] =	stream.linear.gather [hbm4b:s0+s2], $0x200, $0x38;
	[tilespmem:$0x18400] =	vst v63  }
0xec: {  	_ =	swait.ge [sflag:s3], $0x200  }
0xed: {  	[sflag:s3] =	ssyncset.done $0x0  }
0xee: {  	[sflag:s3] =	ssyncadd.s32 $0xFFFFFE00  }
0xef: {  	[tilespmem:s7], [sflag:$0x1] =	stream.indirect.gather [hbm4b:s8+s13], $0x40, s2, s13, $0xb8;
	[tilespmem:$0x18400] =	vst v63  }
0xf0: {  	_ = 	snop  }
0xf1: {  	[tilespmem:s6], [sflag:$0x1] =	stream.indirect.gather [hbm4b:s9+s13], $0x40, s14, s13, $0xb8;
	[tilespmem:$0x18400] =	vst v63  }
0xf2: {  	_ = 	snop  }
0xf3: {  	[tilespmem:s5], [sflag:$0x1] =	stream.indirect.gather [hbm4b:s11+s13], $0x20, s2, s13, $0xb8;
	[tilespmem:$0x18400] =	vst v63  }
0xf4: {  	_ = 	snop  }
0xf5: {  	[tilespmem:s4], [sflag:$0x1] =	stream.indirect.gather [hbm4b:s12+s13], $0x20, s14, s13, $0xb8;
	[tilespmem:$0x18400] =	vst v63  }
0xf6: {  	s1 =	rddreg [dreg:$0xa]  }
0xf7: {  	[tilespmem:s1], [sflag:$0x1] =	stream.indirect.gather [hbm4b:s8+s13], $0x40, s13, s13, $0xb8;
	[tilespmem:$0x18400] =	vst v63  }
0xf8: {  	_ = 	snop  }
0xf9: {  	[tilespmem:s18], [sflag:$0x1] =	stream.indirect.gather [hbm4b:s9+s13], $0x40, s15, s13, $0xb8;
	[tilespmem:$0x18400] =	vst v63  }
0xfa: {  	_ = 	snop  }
0xfb: {  	[tilespmem:s19], [sflag:$0x1] =	stream.indirect.gather [hbm4b:s11+s13], $0x20, s13, s13, $0xb8;
	[tilespmem:$0x18400] =	vst v63  }
0xfc: {  	_ = 	snop  }
0xfd: {  	[tilespmem:s20], [sflag:$0x1] =	stream.indirect.gather [hbm4b:s12+s13], $0x20, s15, s13, $0xb8;
	[tilespmem:$0x18400] =	vst v63  }
0xfe: {  	_ = 	snop  }
0xff: {  	[tilespmem:s22], [sflag:$0x1] =	stream.indirect.gather [hbm4b:s8+s13], $0x40, s16, s13, $0xb8;
	[tilespmem:$0x18400] =	vst v63  }
0x100: {  	_ = 	snop  }
0x101: {  	[tilespmem:s23], [sflag:$0x1] =	stream.indirect.gather [hbm4b:s9+s13], $0x40, s17, s13, $0xb8;
	[tilespmem:$0x18400] =	vst v63  }
0x102: {  	_ = 	snop  }
0x103: {  	[tilespmem:s24], [sflag:$0x1] =	stream.indirect.gather [hbm4b:s11+s13], $0x20, s16, s13, $0xb8;
	[tilespmem:$0x18400] =	vst v63  }
0x104: {  	_ = 	snop  }
0x105: {  	[tilespmem:s25], [sflag:$0x1] =	stream.indirect.gather [hbm4b:s12+s13], $0x20, s17, s13, $0xb8;
	[tilespmem:$0x18400] =	vst v63  }
0x106: {  	_ = 	snop  }
0x107: {  	[tilespmem:s28], [sflag:$0x1] =	stream.indirect.gather [hbm4b:s8+s13], $0x40, s21, s13, $0xb8;
	[tilespmem:$0x18400] =	vst v63  }
0x108: {  	_ = 	snop  }
0x109: {  	[tilespmem:s29], [sflag:$0x1] =	stream.indirect.gather [hbm4b:s9+s13], $0x40, s26, s13, $0xb8;
	[tilespmem:$0x18400] =	vst v63  }
0x10a: {  	_ = 	snop  }
0x10b: {  	[tilespmem:s30], [sflag:$0x1] =	stream.indirect.gather [hbm4b:s11+s13], $0x20, s21, s13, $0xb8;
	[tilespmem:$0x18400] =	vst v63  }
0x10c: {  	_ = 	snop  }
0x10d: {  	[tilespmem:s31], [sflag:$0x1] =	stream.indirect.gather [hbm4b:s12+s13], $0x20, s26, s13, $0xb8;
	[tilespmem:$0x18400] =	vst v63  }
0x10e: {  	_ =	swait.ge [sflag:s10], $0x2000  }
0x10f: {  	[sflag:s10] =	ssyncset.done $0x0  }
0x110: {  	[sflag:s10] =	ssyncadd.s32 $0xFFFFE000  }
0x111: {  	_ =	swait.ge [sflag:s10], $0x2000  }
0x112: {  	[sflag:s10] =	ssyncset.done $0x0  }
0x113: {  	[sflag:s10] =	ssyncadd.s32 $0xFFFFE000  }
0x114: {  	_ =	swait.ge [sflag:s10], $0x1000  }
0x115: {  	[sflag:s10] =	ssyncset.done $0x0  }
0x116: {  	[sflag:s10] =	ssyncadd.s32 $0xFFFFF000  }
0x117: {  	_ =	swait.ge [sflag:s10], $0x1000  }
0x118: {  	[sflag:s10] =	ssyncset.done $0x0  }
0x119: {  	[sflag:s10] =	ssyncadd.s32 $0xFFFFF000  }
0x11a: {  	_ =	swait.ge [sflag:s10], $0x2000  }
0x11b: {  	[sflag:s10] =	ssyncset.done $0x0  }
0x11c: {  	[sflag:s10] =	ssyncadd.s32 $0xFFFFE000  }
0x11d: {  	_ =	swait.ge [sflag:s10], $0x2000  }
0x11e: {  	[sflag:s10] =	ssyncset.done $0x0  }
0x11f: {  	[sflag:s10] =	ssyncadd.s32 $0xFFFFE000  }
0x120: {  	_ =	swait.ge [sflag:s10], $0x1000  }
0x121: {  	[sflag:s10] =	ssyncset.done $0x0  }
0x122: {  	[sflag:s10] =	ssyncadd.s32 $0xFFFFF000  }
0x123: {  	_ =	swait.ge [sflag:s10], $0x1000  }
0x124: {  	[sflag:s10] =	ssyncset.done $0x0  }
0x125: {  	[sflag:s10] =	ssyncadd.s32 $0xFFFFF000  }
0x126: {  	_ =	swait.ge [sflag:s10], $0x2000  }
0x127: {  	[sflag:s10] =	ssyncset.done $0x0  }
0x128: {  	[sflag:s10] =	ssyncadd.s32 $0xFFFFE000  }
0x129: {  	_ =	swait.ge [sflag:s10], $0x2000  }
0x12a: {  	[sflag:s10] =	ssyncset.done $0x0  }
0x12b: {  	[sflag:s10] =	ssyncadd.s32 $0xFFFFE000  }
0x12c: {  	_ =	swait.ge [sflag:s10], $0x1000  }
0x12d: {  	[sflag:s10] =	ssyncset.done $0x0  }
0x12e: {  	[sflag:s10] =	ssyncadd.s32 $0xFFFFF000  }
0x12f: {  	_ =	swait.ge [sflag:s10], $0x1000  }
0x130: {  	[sflag:s10] =	ssyncset.done $0x0  }
0x131: {  	[sflag:s10] =	ssyncadd.s32 $0xFFFFF000  }
0x132: {  	_ =	swait.ge [sflag:s10], $0x2000  }
0x133: {  	[sflag:s10] =	ssyncset.done $0x0  }
0x134: {  	[sflag:s10] =	ssyncadd.s32 $0xFFFFE000  }
0x135: {  	_ =	swait.ge [sflag:s10], $0x2000  }
0x136: {  	[sflag:s10] =	ssyncset.done $0x0  }
0x137: {  	[sflag:s10] =	ssyncadd.s32 $0xFFFFE000  }
0x138: {  	_ =	swait.ge [sflag:s10], $0x1000  }
0x139: {  	[sflag:s10] =	ssyncset.done $0x0  }
0x13a: {  	[sflag:s10] =	ssyncadd.s32 $0xFFFFF000  }
0x13b: {  	_ =	swait.ge [sflag:s10], $0x1000  }
0x13c: {  	[sflag:s10] =	ssyncset.done $0x0  }
0x13d: {  	s26 =	rddreg [dreg:$0x6];
	[sflag:s10] =	ssyncadd.s32 $0xFFFFF000  }
0x13e: {  	[hbm4b:s26+s2] =	stream.linear.scatter [tilespmem:s7], [sflag:$0x2], $0x8000, $0x38;
	[tilespmem:$0x18400] =	vst v63  }
0x13f: {  	_ =	swait.ge [sflag:s3], $0x8000  }
0x140: {  	[sflag:s3] =	ssyncset.done $0x0  }
0x141: {  	s28 =	rddreg [dreg:$0x7];
	[sflag:s3] =	ssyncadd.s32 $0xFFFF8000  }
0x142: {  	[hbm4b:s28+s2] =	stream.linear.scatter [tilespmem:s6], [sflag:$0x2], $0x8000, $0x38;
	[tilespmem:$0x18400] =	vst v63  }
0x143: {  	_ =	swait.ge [sflag:s3], $0x8000  }
0x144: {  	[sflag:s3] =	ssyncset.done $0x0  }
0x145: {  	s29 =	rddreg [dreg:$0x8];
	[sflag:s3] =	ssyncadd.s32 $0xFFFF8000  }
0x146: {  	[hbm4b:s29+s2] =	stream.linear.scatter [tilespmem:s5], [sflag:$0x2], $0x4000, $0x38;
	[tilespmem:$0x18400] =	vst v63  }
0x147: {  	_ =	swait.ge [sflag:s3], $0x4000  }
0x148: {  	[sflag:s3] =	ssyncset.done $0x0  }
0x149: {  	s30 =	rddreg [dreg:$0x9];
	[sflag:s3] =	ssyncadd.s32 $0xFFFFC000  }
0x14a: {  	[hbm4b:s30+s2] =	stream.linear.scatter [tilespmem:s4], [sflag:$0x2], $0x4000, $0x38;
	[tilespmem:$0x18400] =	vst v63  }
0x14b: {  	_ =	swait.ge [sflag:s3], $0x4000  }
0x14c: {  	[sflag:s3] =	ssyncset.done $0x0  }
0x14d: {  	[sflag:s3] =	ssyncadd.s32 $0xFFFFC000  }
0x14e: {  	_ =	sfence.sel $0x180000  }
0x14f: {  	[bflag:$0x0] =	sbarrier.arrive $0xFFFF  }
0x150: {  	_ =	strace $0x90000047  }
0x151: {  	s31 =	stileid.u32;
	[bflag:$0x2] =	sbarrier.arrive $0xFFFF  }
0x152: {  	p0 =	sne.s32 s31, $0x0;
	s0 =	rddreg [dreg:$0x3]  }
0x153: {  	s0 =	sadd.s32 @!p0 $0x100000, s0  }
0x154: {  	[sflag:s0] =	ssyncadd.tile.s32 @!p0 $0x1;
	_ =	shalt  }
.Lfunc_end2:
_tile_overlayer_lowered:
.L_overlay_start_2:
0x155: {  	(tag) =	ssettag $0x2  }
0x156: {  	s0 =	rddreg [dreg:$0x0];
	s2 =	stileid.u32  }
0x157: {  	s1 =	rddreg [dreg:$0x1];
	p0 =	sne.s32 s2, $0x0  }
0x158: {  	s3 =	rddreg [dreg:$0x2];
	[bflag:$0x3] =	sbarrier.arrive $0xFFFF;
	s2 =	simm.s32 @!p0 $0x1C02  }
0x159: {  	[timem:s3], [sflag:s2] =	dma.local @!p0 [hbm:s0], s1  }
0x15a: {  	s0 =	simm.s32 @!p0 $0x2  }
0x15b: {  	_ =	swait.ge @!p0 [sflag:s0], s1  }
0x15c: {  	s1 =	ssub.s32 @!p0 $0x0, s1;
	[sflag:s0] =	ssyncset.done @!p0 $0x0  }
0x15d: {  	[sflag:s0] =	ssyncadd.s32 @!p0 s1  }
0x15e: {  	[bflag:$0x3] =	sbarrier.arrive $0xFFFF  }
0x15f: {  	_ =	shalt  }

</sc_bundles>
